<compile_context>
chip_gen: v7x
topology: tpu7x:2x2x1
jax: 0.10.2.dev20260603
libtpu: 0.0.44.dev20260713+nightly
codegen_flags: <defaults>
</compile_context>

<pallas_src>
import functools

import jax
import jax.numpy as jnp
from jax import lax
from jax.experimental import pallas as pl
from jax.experimental.pallas import tpu as pltpu
from jax.experimental.pallas import tpu_sc as plsc

NUM_FIELDS = 26
VOCAB = 100000
EMB_DIM = 32
BATCH = 16384
CHUNK = 4096


def _sc_gather_t(ids_t, tables_t):
    mesh = plsc.VectorSubcoreMesh(core_axis_name="c", subcore_axis_name="s")

    @functools.partial(
        pl.kernel,
        mesh=mesh,
        compiler_params=pltpu.CompilerParams(use_tc_tiling_on_sc=True,
                                             needs_layout_passes=False),
        out_type=jax.ShapeDtypeStruct((NUM_FIELDS * EMB_DIM, BATCH),
                                      jnp.float32),
        scratch_types=[
            pltpu.VMEM((VOCAB,), jnp.float32),
            pltpu.VMEM((2, CHUNK), jnp.int32),
            pltpu.VMEM((2, 2 * CHUNK), jnp.float32),
            pltpu.VMEM_SHARED((2, BATCH), jnp.int32),
            pltpu.SemaphoreType.DMA,
            pltpu.SemaphoreType.DMA,
            pltpu.SemaphoreType.DMA,
        ],
    )
    def k(ids_hbm, tab_hbm, out_hbm, row_v, ids_v, out_v, ids_sh, sem_row,
          sem_ids, sem_out):
        d = lax.axis_index("c") * 16 + lax.axis_index("s")
        nchunk = BATCH // CHUNK

        @pl.when(lax.axis_index("s") == 0)
        def _stage0():
            pltpu.sync_copy(ids_hbm.at[0], ids_sh.at[0])

        pltpu.async_copy(tab_hbm.at[0, d], row_v, sem_row)
        plsc.subcore_barrier()

        def body(j, carry):
            jj = lax.rem(j, 2)

            @pl.when(jnp.logical_and(lax.axis_index("s") == 0,
                                     j < NUM_FIELDS - 1))
            def _stage_next():
                pltpu.sync_copy(ids_hbm.at[j + 1], ids_sh.at[lax.rem(j + 1, 2)])

            pltpu.async_copy(ids_sh.at[jj, pl.ds(0, CHUNK)],
                             ids_v.at[0], sem_ids).wait()
            pltpu.make_async_copy(tab_hbm.at[j, d], row_v, sem_row).wait()
            out_cps = [None, None]
            for c in range(nchunk):
                if c + 1 < nchunk:
                    nxt = pltpu.async_copy(
                        ids_sh.at[jj, pl.ds((c + 1) * CHUNK, CHUNK)],
                        ids_v.at[(c + 1) % 2], sem_ids)

                @plsc.parallel_loop(0, CHUNK // 16, unroll=16)
                def gather16(i, c=c):
                    idx = ids_v[(c % 2), pl.ds(i * 16, 16)]
                    out_v[(c // 2), pl.ds((c % 2) * CHUNK + i * 16, 16)] = (
                        plsc.load_gather(row_v, [idx]))

                if c % 2 == 1:
                    out_cps[c // 2] = pltpu.async_copy(
                        out_v.at[c // 2],
                        out_hbm.at[j * EMB_DIM + d,
                                   pl.ds((c // 2) * 2 * CHUNK, 2 * CHUNK)],
                        sem_out)
                if c + 1 < nchunk:
                    nxt.wait()
                if c == nchunk - 1:
                    @pl.when(j < NUM_FIELDS - 1)
                    def _next_row():
                        pltpu.async_copy(tab_hbm.at[j + 1, d], row_v, sem_row)

            plsc.subcore_barrier()
            out_cps[0].wait()
            out_cps[1].wait()
            return carry

        lax.fori_loop(0, NUM_FIELDS, body, 0)

    return k(ids_t, tables_t)


def kernel(x_cat_ids, tables):
    ids_t = x_cat_ids.T.astype(jnp.int32)
    tables_t = jnp.transpose(tables, (0, 2, 1))
    out_t = _sc_gather_t(ids_t, tables_t)
    return out_t.T

# --- scband reference (transcript-rebuilt; emitter-appended) ---
"""Pipeline reference for scband-embedding-block-1838246003109 (READ-ONLY COPY).

The authoritative reference and input builder live on the scoring server;
editing this copy changes nothing except your own understanding.
"""

import jax, jax.numpy as jnp
import numpy as np

NUM_FIELDS = 26
VOCAB = 100000
EMB_DIM = 32
BATCH = 16384


def setup_inputs(seed: int = 0) -> dict:
    key = jax.random.key(seed)
    k1, k2 = jax.random.split(key)
    x_cat_ids = jax.random.randint(k1, (BATCH, NUM_FIELDS), 0, VOCAB, dtype=jnp.int64 if jax.config.jax_enable_x64 else jnp.int32)
    # One embedding table per categorical field; all fields share vocab/dim here,
    # so we stack them as tables[j] == emb_layers[j].weight.
    tables = jax.random.normal(k2, (NUM_FIELDS, VOCAB, EMB_DIM), dtype=jnp.float32) * 0.01
    return {"x_cat_ids": x_cat_ids, "tables": tables}


def reference(x_cat_ids, tables):
    # Per-field embedding lookup followed by concat along feature dim,
    # matching EmbeddingBlock.forward.
    embs = [jnp.take(tables[j], x_cat_ids[:, j], axis=0) for j in range(NUM_FIELDS)]
    return jnp.concatenate(embs, axis=1)

if __name__ == "__main__":
    import jax
    _d = setup_inputs()
    print(jax.jit(kernel)(*tuple(_d.values())))

</pallas_src>

<mosaic_0001>
#map = affine_map<(d0, d1) -> (0, 0)>
#map1 = affine_map<(d0, d1) -> (0, 0, 0)>
module attributes {stable_mosaic.version = 14 : i64} {
  func.func @k(%arg0: i32, %arg1: i32, %arg2: memref<26x16384xi32, #tpu.memory_space<hbm>>, %arg3: memref<26x32x100000xf32, #tpu.memory_space<hbm>>, %arg4: memref<832x16384xf32, #tpu.memory_space<hbm>>, %arg5: memref<100000xf32, #tpu.memory_space<vmem>>, %arg6: memref<2x4096xi32, #tpu.memory_space<vmem>>, %arg7: memref<2x8192xf32, #tpu.memory_space<vmem>>, %arg8: memref<2x16384xi32, #tpu.memory_space<vmem_shared>>, %arg9: memref<!tpu.dma_semaphore, #tpu.memory_space<semaphore_mem>>, %arg10: memref<!tpu.dma_semaphore, #tpu.memory_space<semaphore_mem>>, %arg11: memref<!tpu.dma_semaphore, #tpu.memory_space<semaphore_mem>>) attributes {dimension_semantics = [#tpu.dimension_semantics<core_parallel>, #tpu.dimension_semantics<subcore_parallel>], iteration_bounds = array<i64: 2, 16>, scalar_prefetch = 0 : i64, scratch_operands = 7 : i64, tpu.core_type = #tpu.core_type<sc_vector_subcore>, window_params = [{transform_indices = #map}, {transform_indices = #map1}, {transform_indices = #map}]} {
    %mul3A = arith.constant 16 : i32
    %mul3A_0 = arith.muli %arg0, %mul3A : i32
    %add3A = arith.addi %mul3A_0, %arg1 : i32
    %eq3A = arith.constant 0 : i32
    %eq3A_1 = arith.cmpi eq, %arg1, %eq3A : i32
    %convert_element_type3A = arith.extui %eq3A_1 : i1 to i32
    %cond3A = arith.constant 0 : i32
    %cond3A_2 = arith.cmpi ne, %convert_element_type3A, %cond3A : i32
    scf.if %cond3A_2 {
      %run_scoped3A = arith.constant 0 : i32
      %run_scoped3A_14 = arith.constant 0 : i32
      "tpu.region"() ({
        %run_scoped3A_15 = tpu.sem_alloc : memref<!tpu.dma_semaphore, #tpu.memory_space<semaphore_mem>>
        %dma_start3A_16 = arith.constant 0 : i32
        %dma_start3A_17 = tpu.memref_slice %arg8[%run_scoped3A_14, %dma_start3A_16] : memref<2x16384xi32, #tpu.memory_space<vmem_shared>> -> memref<1x16384xi32, #tpu.memory_space<vmem_shared>>
        %dma_start3A_18 = tpu.memref_squeeze %dma_start3A_17 : memref<1x16384xi32, #tpu.memory_space<vmem_shared>> -> memref<16384xi32, #tpu.memory_space<vmem_shared>>
        %dma_start3A_19 = arith.constant 0 : i32
        %dma_start3A_20 = tpu.memref_slice %arg2[%run_scoped3A, %dma_start3A_19] : memref<26x16384xi32, #tpu.memory_space<hbm>> -> memref<1x16384xi32, #tpu.memory_space<hbm>>
        %dma_start3A_21 = tpu.memref_squeeze %dma_start3A_20 : memref<1x16384xi32, #tpu.memory_space<hbm>> -> memref<16384xi32, #tpu.memory_space<hbm>>
        tpu.enqueue_dma source(%dma_start3A_21 : memref<16384xi32, #tpu.memory_space<hbm>>) target(%dma_start3A_18 : memref<16384xi32, #tpu.memory_space<vmem_shared>>) target_semaphore(%run_scoped3A_15 : memref<!tpu.dma_semaphore, #tpu.memory_space<semaphore_mem>>)
        %dma_wait3A = arith.constant 0 : i32
        %dma_wait3A_22 = tpu.memref_slice %arg8[%run_scoped3A_14, %dma_wait3A] : memref<2x16384xi32, #tpu.memory_space<vmem_shared>> -> memref<1x16384xi32, #tpu.memory_space<vmem_shared>>
        %dma_wait3A_23 = tpu.memref_squeeze %dma_wait3A_22 : memref<1x16384xi32, #tpu.memory_space<vmem_shared>> -> memref<16384xi32, #tpu.memory_space<vmem_shared>>
        %dma_wait3A_24 = arith.constant 0 : i32
        %dma_wait3A_25 = tpu.memref_slice %arg2[%run_scoped3A, %dma_wait3A_24] : memref<26x16384xi32, #tpu.memory_space<hbm>> -> memref<1x16384xi32, #tpu.memory_space<hbm>>
        %dma_wait3A_26 = tpu.memref_squeeze %dma_wait3A_25 : memref<1x16384xi32, #tpu.memory_space<hbm>> -> memref<16384xi32, #tpu.memory_space<hbm>>
        tpu.wait_dma2 semaphore(%run_scoped3A_15 : memref<!tpu.dma_semaphore, #tpu.memory_space<semaphore_mem>>) src(%dma_wait3A_26 : memref<16384xi32, #tpu.memory_space<hbm>>) dst(%dma_wait3A_23 : memref<16384xi32, #tpu.memory_space<vmem_shared>>)
        tpu.yield
      }) : () -> ()
    } else {
    }
    %dma_start3A = arith.constant 0 : i32
    %dma_start3A_3 = arith.constant 0 : i32
    %dma_start3A_4 = tpu.memref_slice %arg3[%dma_start3A, %add3A, %dma_start3A_3] : memref<26x32x100000xf32, #tpu.memory_space<hbm>> -> memref<1x1x100000xf32, #tpu.memory_space<hbm>>
    %dma_start3A_5 = tpu.memref_squeeze %dma_start3A_4 : memref<1x1x100000xf32, #tpu.memory_space<hbm>> -> memref<100000xf32, #tpu.memory_space<hbm>>
    %dma_start3A_6 = arith.constant 0 : i32
    %dma_start3A_7 = tpu.memref_slice %arg3[%dma_start3A, %add3A, %dma_start3A_6] : memref<26x32x100000xf32, #tpu.memory_space<hbm>> -> memref<1x1x100000xf32, #tpu.memory_space<hbm>>
    %dma_start3A_8 = tpu.memref_squeeze %dma_start3A_7 : memref<1x1x100000xf32, #tpu.memory_space<hbm>> -> memref<100000xf32, #tpu.memory_space<hbm>>
    tpu.enqueue_dma source(%dma_start3A_8 : memref<100000xf32, #tpu.memory_space<hbm>>) target(%arg5 : memref<100000xf32, #tpu.memory_space<vmem>>) target_semaphore(%arg9 : memref<!tpu.dma_semaphore, #tpu.memory_space<semaphore_mem>>)
    %barrier3A = arith.constant 0 : index
    tpu.barrier barrier_id(%barrier3A)
    %scan3A = arith.constant 0 : i32
    %scan3A_9 = arith.constant 0 : i32
    %scan3A_10 = arith.constant 26 : i32
    %scan3A_11 = arith.addi %scan3A_9, %scan3A_10 : i32
    %scan3A_12 = arith.constant 1 : i32
    scf.for %scan3A_14 = %scan3A_9 to %scan3A_11 step %scan3A_12  : i32 {
      %rem3A = arith.constant 2 : i32
      %rem3A_15 = arith.remsi %scan3A_14, %rem3A : i32
      %eq3A_16 = arith.constant 0 : i32
      %eq3A_17 = arith.cmpi eq, %arg1, %eq3A_16 : i32
      %lt3A = arith.constant 25 : i32
      %lt3A_18 = arith.cmpi slt, %scan3A_14, %lt3A : i32
      %and3A = arith.andi %eq3A_17, %lt3A_18 : i1
      %convert_element_type3A_19 = arith.extui %and3A : i1 to i32
      %cond3A_20 = arith.constant 0 : i32
      %cond3A_21 = arith.cmpi ne, %convert_element_type3A_19, %cond3A_20 : i32
      scf.if %cond3A_21 {
        %add3A_206 = arith.constant 1 : i32
        %add3A_207 = arith.addi %scan3A_14, %add3A_206 : i32
        %add3A_208 = arith.constant 1 : i32
        %add3A_209 = arith.addi %scan3A_14, %add3A_208 : i32
        %rem3A_210 = arith.constant 2 : i32
        %rem3A_211 = arith.remsi %add3A_209, %rem3A_210 : i32
        "tpu.region"() ({
          %run_scoped3A = tpu.sem_alloc : memref<!tpu.dma_semaphore, #tpu.memory_space<semaphore_mem>>
          %dma_start3A_212 = arith.constant 0 : i32
          %dma_start3A_213 = tpu.memref_slice %arg8[%rem3A_211, %dma_start3A_212] : memref<2x16384xi32, #tpu.memory_space<vmem_shared>> -> memref<1x16384xi32, #tpu.memory_space<vmem_shared>>
          %dma_start3A_214 = tpu.memref_squeeze %dma_start3A_213 : memref<1x16384xi32, #tpu.memory_space<vmem_shared>> -> memref<16384xi32, #tpu.memory_space<vmem_shared>>
          %dma_start3A_215 = arith.constant 0 : i32
          %dma_start3A_216 = tpu.memref_slice %arg2[%add3A_207, %dma_start3A_215] : memref<26x16384xi32, #tpu.memory_space<hbm>> -> memref<1x16384xi32, #tpu.memory_space<hbm>>
          %dma_start3A_217 = tpu.memref_squeeze %dma_start3A_216 : memref<1x16384xi32, #tpu.memory_space<hbm>> -> memref<16384xi32, #tpu.memory_space<hbm>>
          tpu.enqueue_dma source(%dma_start3A_217 : memref<16384xi32, #tpu.memory_space<hbm>>) target(%dma_start3A_214 : memref<16384xi32, #tpu.memory_space<vmem_shared>>) target_semaphore(%run_scoped3A : memref<!tpu.dma_semaphore, #tpu.memory_space<semaphore_mem>>)
          %dma_wait3A_218 = arith.constant 0 : i32
          %dma_wait3A_219 = tpu.memref_slice %arg8[%rem3A_211, %dma_wait3A_218] : memref<2x16384xi32, #tpu.memory_space<vmem_shared>> -> memref<1x16384xi32, #tpu.memory_space<vmem_shared>>
          %dma_wait3A_220 = tpu.memref_squeeze %dma_wait3A_219 : memref<1x16384xi32, #tpu.memory_space<vmem_shared>> -> memref<16384xi32, #tpu.memory_space<vmem_shared>>
          %dma_wait3A_221 = arith.constant 0 : i32
          %dma_wait3A_222 = tpu.memref_slice %arg2[%add3A_207, %dma_wait3A_221] : memref<26x16384xi32, #tpu.memory_space<hbm>> -> memref<1x16384xi32, #tpu.memory_space<hbm>>
          %dma_wait3A_223 = tpu.memref_squeeze %dma_wait3A_222 : memref<1x16384xi32, #tpu.memory_space<hbm>> -> memref<16384xi32, #tpu.memory_space<hbm>>
          tpu.wait_dma2 semaphore(%run_scoped3A : memref<!tpu.dma_semaphore, #tpu.memory_space<semaphore_mem>>) src(%dma_wait3A_223 : memref<16384xi32, #tpu.memory_space<hbm>>) dst(%dma_wait3A_220 : memref<16384xi32, #tpu.memory_space<vmem_shared>>)
          tpu.yield
        }) : () -> ()
      } else {
      }
      %dma_start3A_22 = arith.constant 0 : i32
      %dma_start3A_23 = arith.constant 0 : i32
      %dma_start3A_24 = tpu.memref_slice %arg6[%dma_start3A_22, %dma_start3A_23] : memref<2x4096xi32, #tpu.memory_space<vmem>> -> memref<1x4096xi32, #tpu.memory_space<vmem>>
      %dma_start3A_25 = tpu.memref_squeeze %dma_start3A_24 : memref<1x4096xi32, #tpu.memory_space<vmem>> -> memref<4096xi32, #tpu.memory_space<vmem>>
      %dma_start3A_26 = arith.constant 0 : i32
      %dma_start3A_27 = tpu.memref_slice %arg8[%rem3A_15, %dma_start3A_26] : memref<2x16384xi32, #tpu.memory_space<vmem_shared>> -> memref<1x4096xi32, #tpu.memory_space<vmem_shared>>
      %dma_start3A_28 = tpu.memref_squeeze %dma_start3A_27 : memref<1x4096xi32, #tpu.memory_space<vmem_shared>> -> memref<4096xi32, #tpu.memory_space<vmem_shared>>
      %dma_start3A_29 = arith.constant 0 : i32
      %dma_start3A_30 = tpu.memref_slice %arg6[%dma_start3A_22, %dma_start3A_29] : memref<2x4096xi32, #tpu.memory_space<vmem>> -> memref<1x4096xi32, #tpu.memory_space<vmem>>
      %dma_start3A_31 = tpu.memref_squeeze %dma_start3A_30 : memref<1x4096xi32, #tpu.memory_space<vmem>> -> memref<4096xi32, #tpu.memory_space<vmem>>
      %dma_start3A_32 = arith.constant 0 : i32
      %dma_start3A_33 = tpu.memref_slice %arg8[%rem3A_15, %dma_start3A_32] : memref<2x16384xi32, #tpu.memory_space<vmem_shared>> -> memref<1x4096xi32, #tpu.memory_space<vmem_shared>>
      %dma_start3A_34 = tpu.memref_squeeze %dma_start3A_33 : memref<1x4096xi32, #tpu.memory_space<vmem_shared>> -> memref<4096xi32, #tpu.memory_space<vmem_shared>>
      tpu.enqueue_dma source(%dma_start3A_34 : memref<4096xi32, #tpu.memory_space<vmem_shared>>) target(%dma_start3A_31 : memref<4096xi32, #tpu.memory_space<vmem>>) target_semaphore(%arg10 : memref<!tpu.dma_semaphore, #tpu.memory_space<semaphore_mem>>)
      %dma_wait3A = arith.constant 0 : i32
      %dma_wait3A_35 = arith.constant 0 : i32
      %dma_wait3A_36 = tpu.memref_slice %arg6[%dma_wait3A, %dma_wait3A_35] : memref<2x4096xi32, #tpu.memory_space<vmem>> -> memref<1x4096xi32, #tpu.memory_space<vmem>>
      %dma_wait3A_37 = tpu.memref_squeeze %dma_wait3A_36 : memref<1x4096xi32, #tpu.memory_space<vmem>> -> memref<4096xi32, #tpu.memory_space<vmem>>
      %dma_wait3A_38 = arith.constant 0 : i32
      %dma_wait3A_39 = tpu.memref_slice %arg8[%rem3A_15, %dma_wait3A_38] : memref<2x16384xi32, #tpu.memory_space<vmem_shared>> -> memref<1x4096xi32, #tpu.memory_space<vmem_shared>>
      %dma_wait3A_40 = tpu.memref_squeeze %dma_wait3A_39 : memref<1x4096xi32, #tpu.memory_space<vmem_shared>> -> memref<4096xi32, #tpu.memory_space<vmem_shared>>
      %dma_wait3A_41 = arith.constant 0 : i32
      %dma_wait3A_42 = tpu.memref_slice %arg6[%dma_wait3A, %dma_wait3A_41] : memref<2x4096xi32, #tpu.memory_space<vmem>> -> memref<1x4096xi32, #tpu.memory_space<vmem>>
      %dma_wait3A_43 = tpu.memref_squeeze %dma_wait3A_42 : memref<1x4096xi32, #tpu.memory_space<vmem>> -> memref<4096xi32, #tpu.memory_space<vmem>>
      %dma_wait3A_44 = arith.constant 0 : i32
      %dma_wait3A_45 = tpu.memref_slice %arg8[%rem3A_15, %dma_wait3A_44] : memref<2x16384xi32, #tpu.memory_space<vmem_shared>> -> memref<1x4096xi32, #tpu.memory_space<vmem_shared>>
      %dma_wait3A_46 = tpu.memref_squeeze %dma_wait3A_45 : memref<1x4096xi32, #tpu.memory_space<vmem_shared>> -> memref<4096xi32, #tpu.memory_space<vmem_shared>>
      tpu.wait_dma2 semaphore(%arg10 : memref<!tpu.dma_semaphore, #tpu.memory_space<semaphore_mem>>) src(%dma_wait3A_46 : memref<4096xi32, #tpu.memory_space<vmem_shared>>) dst(%dma_wait3A_43 : memref<4096xi32, #tpu.memory_space<vmem>>)
      %dma_wait3A_47 = arith.constant 0 : i32
      %dma_wait3A_48 = tpu.memref_slice %arg3[%scan3A_14, %add3A, %dma_wait3A_47] : memref<26x32x100000xf32, #tpu.memory_space<hbm>> -> memref<1x1x100000xf32, #tpu.memory_space<hbm>>
      %dma_wait3A_49 = tpu.memref_squeeze %dma_wait3A_48 : memref<1x1x100000xf32, #tpu.memory_space<hbm>> -> memref<100000xf32, #tpu.memory_space<hbm>>
      %dma_wait3A_50 = arith.constant 0 : i32
      %dma_wait3A_51 = tpu.memref_slice %arg3[%scan3A_14, %add3A, %dma_wait3A_50] : memref<26x32x100000xf32, #tpu.memory_space<hbm>> -> memref<1x1x100000xf32, #tpu.memory_space<hbm>>
      %dma_wait3A_52 = tpu.memref_squeeze %dma_wait3A_51 : memref<1x1x100000xf32, #tpu.memory_space<hbm>> -> memref<100000xf32, #tpu.memory_space<hbm>>
      tpu.wait_dma2 semaphore(%arg9 : memref<!tpu.dma_semaphore, #tpu.memory_space<semaphore_mem>>) src(%dma_wait3A_52 : memref<100000xf32, #tpu.memory_space<hbm>>) dst(%arg5 : memref<100000xf32, #tpu.memory_space<vmem>>)
      %dma_start3A_53 = arith.constant 1 : i32
      %dma_start3A_54 = arith.constant 0 : i32
      %dma_start3A_55 = tpu.memref_slice %arg6[%dma_start3A_53, %dma_start3A_54] : memref<2x4096xi32, #tpu.memory_space<vmem>> -> memref<1x4096xi32, #tpu.memory_space<vmem>>
      %dma_start3A_56 = tpu.memref_squeeze %dma_start3A_55 : memref<1x4096xi32, #tpu.memory_space<vmem>> -> memref<4096xi32, #tpu.memory_space<vmem>>
      %dma_start3A_57 = arith.constant 4096 : i32
      %dma_start3A_58 = tpu.memref_slice %arg8[%rem3A_15, %dma_start3A_57] : memref<2x16384xi32, #tpu.memory_space<vmem_shared>> -> memref<1x4096xi32, #tpu.memory_space<vmem_shared>>
      %dma_start3A_59 = tpu.memref_squeeze %dma_start3A_58 : memref<1x4096xi32, #tpu.memory_space<vmem_shared>> -> memref<4096xi32, #tpu.memory_space<vmem_shared>>
      %dma_start3A_60 = arith.constant 0 : i32
      %dma_start3A_61 = tpu.memref_slice %arg6[%dma_start3A_53, %dma_start3A_60] : memref<2x4096xi32, #tpu.memory_space<vmem>> -> memref<1x4096xi32, #tpu.memory_space<vmem>>
      %dma_start3A_62 = tpu.memref_squeeze %dma_start3A_61 : memref<1x4096xi32, #tpu.memory_space<vmem>> -> memref<4096xi32, #tpu.memory_space<vmem>>
      %dma_start3A_63 = arith.constant 4096 : i32
      %dma_start3A_64 = tpu.memref_slice %arg8[%rem3A_15, %dma_start3A_63] : memref<2x16384xi32, #tpu.memory_space<vmem_shared>> -> memref<1x4096xi32, #tpu.memory_space<vmem_shared>>
      %dma_start3A_65 = tpu.memref_squeeze %dma_start3A_64 : memref<1x4096xi32, #tpu.memory_space<vmem_shared>> -> memref<4096xi32, #tpu.memory_space<vmem_shared>>
      tpu.enqueue_dma source(%dma_start3A_65 : memref<4096xi32, #tpu.memory_space<vmem_shared>>) target(%dma_start3A_62 : memref<4096xi32, #tpu.memory_space<vmem>>) target_semaphore(%arg10 : memref<!tpu.dma_semaphore, #tpu.memory_space<semaphore_mem>>)
      %parallel_loop3A = arith.constant 0 : i32
      %parallel_loop3A_66 = arith.constant 256 : i32
      %parallel_loop3A_67 = arith.constant 1 : i32
      scf.for %parallel_loop3A_206 = %parallel_loop3A to %parallel_loop3A_66 step %parallel_loop3A_67  : i32 {
        %parallel_loop3A_207 = arith.constant 16 : i32
        %parallel_loop3A_208 = arith.muli %parallel_loop3A_206, %parallel_loop3A_207 : i32
        %parallel_loop3A_209 = arith.constant 0 : i32
        %parallel_loop3A_210 = arith.index_cast %parallel_loop3A_209 : i32 to index
        %parallel_loop3A_211 = arith.index_cast %parallel_loop3A_208 : i32 to index
        %parallel_loop3A_212 = tpu.vector_load %arg6[%parallel_loop3A_210, %parallel_loop3A_211] {strides = array<i32>} : memref<2x4096xi32, #tpu.memory_space<vmem>>, vector<16xi32>,
        %parallel_loop3A_213 = tpu.vector_load_idx %arg5[%parallel_loop3A_212] : memref<100000xf32, #tpu.memory_space<vmem>>[vector<16xi32>], vector<16xf32>,
        %parallel_loop3A_214 = arith.constant 16 : i32
        %parallel_loop3A_215 = arith.muli %parallel_loop3A_206, %parallel_loop3A_214 : i32
        %parallel_loop3A_216 = arith.constant 0 : i32
        %parallel_loop3A_217 = arith.addi %parallel_loop3A_216, %parallel_loop3A_215 : i32
        %parallel_loop3A_218 = arith.constant 0 : i32
        %parallel_loop3A_219 = arith.index_cast %parallel_loop3A_218 : i32 to index
        %parallel_loop3A_220 = arith.index_cast %parallel_loop3A_217 : i32 to index
        %parallel_loop3A_221 = tpu.vector_load %arg7[%parallel_loop3A_219, %parallel_loop3A_220] {strides = array<i32>} : memref<2x8192xf32, #tpu.memory_space<vmem>>, vector<16xf32>,
        tpu.vector_store %arg7[%parallel_loop3A_219, %parallel_loop3A_220], %parallel_loop3A_213 {strides = array<i32>} : memref<2x8192xf32, #tpu.memory_space<vmem>>, vector<16xf32>,
      } {sc.loop_unroll_factor = 16 : i64, sc.parallel_access}
      %dma_wait3A_68 = arith.constant 1 : i32
      %dma_wait3A_69 = arith.constant 0 : i32
      %dma_wait3A_70 = tpu.memref_slice %arg6[%dma_wait3A_68, %dma_wait3A_69] : memref<2x4096xi32, #tpu.memory_space<vmem>> -> memref<1x4096xi32, #tpu.memory_space<vmem>>
      %dma_wait3A_71 = tpu.memref_squeeze %dma_wait3A_70 : memref<1x4096xi32, #tpu.memory_space<vmem>> -> memref<4096xi32, #tpu.memory_space<vmem>>
      %dma_wait3A_72 = arith.constant 4096 : i32
      %dma_wait3A_73 = tpu.memref_slice %arg8[%rem3A_15, %dma_wait3A_72] : memref<2x16384xi32, #tpu.memory_space<vmem_shared>> -> memref<1x4096xi32, #tpu.memory_space<vmem_shared>>
      %dma_wait3A_74 = tpu.memref_squeeze %dma_wait3A_73 : memref<1x4096xi32, #tpu.memory_space<vmem_shared>> -> memref<4096xi32, #tpu.memory_space<vmem_shared>>
      %dma_wait3A_75 = arith.constant 0 : i32
      %dma_wait3A_76 = tpu.memref_slice %arg6[%dma_wait3A_68, %dma_wait3A_75] : memref<2x4096xi32, #tpu.memory_space<vmem>> -> memref<1x4096xi32, #tpu.memory_space<vmem>>
      %dma_wait3A_77 = tpu.memref_squeeze %dma_wait3A_76 : memref<1x4096xi32, #tpu.memory_space<vmem>> -> memref<4096xi32, #tpu.memory_space<vmem>>
      %dma_wait3A_78 = arith.constant 4096 : i32
      %dma_wait3A_79 = tpu.memref_slice %arg8[%rem3A_15, %dma_wait3A_78] : memref<2x16384xi32, #tpu.memory_space<vmem_shared>> -> memref<1x4096xi32, #tpu.memory_space<vmem_shared>>
      %dma_wait3A_80 = tpu.memref_squeeze %dma_wait3A_79 : memref<1x4096xi32, #tpu.memory_space<vmem_shared>> -> memref<4096xi32, #tpu.memory_space<vmem_shared>>
      tpu.wait_dma2 semaphore(%arg10 : memref<!tpu.dma_semaphore, #tpu.memory_space<semaphore_mem>>) src(%dma_wait3A_80 : memref<4096xi32, #tpu.memory_space<vmem_shared>>) dst(%dma_wait3A_77 : memref<4096xi32, #tpu.memory_space<vmem>>)
      %dma_start3A_81 = arith.constant 0 : i32
      %dma_start3A_82 = arith.constant 0 : i32
      %dma_start3A_83 = tpu.memref_slice %arg6[%dma_start3A_81, %dma_start3A_82] : memref<2x4096xi32, #tpu.memory_space<vmem>> -> memref<1x4096xi32, #tpu.memory_space<vmem>>
      %dma_start3A_84 = tpu.memref_squeeze %dma_start3A_83 : memref<1x4096xi32, #tpu.memory_space<vmem>> -> memref<4096xi32, #tpu.memory_space<vmem>>
      %dma_start3A_85 = arith.constant 8192 : i32
      %dma_start3A_86 = tpu.memref_slice %arg8[%rem3A_15, %dma_start3A_85] : memref<2x16384xi32, #tpu.memory_space<vmem_shared>> -> memref<1x4096xi32, #tpu.memory_space<vmem_shared>>
      %dma_start3A_87 = tpu.memref_squeeze %dma_start3A_86 : memref<1x4096xi32, #tpu.memory_space<vmem_shared>> -> memref<4096xi32, #tpu.memory_space<vmem_shared>>
      %dma_start3A_88 = arith.constant 0 : i32
      %dma_start3A_89 = tpu.memref_slice %arg6[%dma_start3A_81, %dma_start3A_88] : memref<2x4096xi32, #tpu.memory_space<vmem>> -> memref<1x4096xi32, #tpu.memory_space<vmem>>
      %dma_start3A_90 = tpu.memref_squeeze %dma_start3A_89 : memref<1x4096xi32, #tpu.memory_space<vmem>> -> memref<4096xi32, #tpu.memory_space<vmem>>
      %dma_start3A_91 = arith.constant 8192 : i32
      %dma_start3A_92 = tpu.memref_slice %arg8[%rem3A_15, %dma_start3A_91] : memref<2x16384xi32, #tpu.memory_space<vmem_shared>> -> memref<1x4096xi32, #tpu.memory_space<vmem_shared>>
      %dma_start3A_93 = tpu.memref_squeeze %dma_start3A_92 : memref<1x4096xi32, #tpu.memory_space<vmem_shared>> -> memref<4096xi32, #tpu.memory_space<vmem_shared>>
      tpu.enqueue_dma source(%dma_start3A_93 : memref<4096xi32, #tpu.memory_space<vmem_shared>>) target(%dma_start3A_90 : memref<4096xi32, #tpu.memory_space<vmem>>) target_semaphore(%arg10 : memref<!tpu.dma_semaphore, #tpu.memory_space<semaphore_mem>>)
      %parallel_loop3A_94 = arith.constant 0 : i32
      %parallel_loop3A_95 = arith.constant 256 : i32
      %parallel_loop3A_96 = arith.constant 1 : i32
      scf.for %parallel_loop3A_206 = %parallel_loop3A_94 to %parallel_loop3A_95 step %parallel_loop3A_96  : i32 {
        %parallel_loop3A_207 = arith.constant 16 : i32
        %parallel_loop3A_208 = arith.muli %parallel_loop3A_206, %parallel_loop3A_207 : i32
        %parallel_loop3A_209 = arith.constant 1 : i32
        %parallel_loop3A_210 = arith.index_cast %parallel_loop3A_209 : i32 to index
        %parallel_loop3A_211 = arith.index_cast %parallel_loop3A_208 : i32 to index
        %parallel_loop3A_212 = tpu.vector_load %arg6[%parallel_loop3A_210, %parallel_loop3A_211] {strides = array<i32>} : memref<2x4096xi32, #tpu.memory_space<vmem>>, vector<16xi32>,
        %parallel_loop3A_213 = tpu.vector_load_idx %arg5[%parallel_loop3A_212] : memref<100000xf32, #tpu.memory_space<vmem>>[vector<16xi32>], vector<16xf32>,
        %parallel_loop3A_214 = arith.constant 16 : i32
        %parallel_loop3A_215 = arith.muli %parallel_loop3A_206, %parallel_loop3A_214 : i32
        %parallel_loop3A_216 = arith.constant 4096 : i32
        %parallel_loop3A_217 = arith.addi %parallel_loop3A_216, %parallel_loop3A_215 : i32
        %parallel_loop3A_218 = arith.constant 0 : i32
        %parallel_loop3A_219 = arith.index_cast %parallel_loop3A_218 : i32 to index
        %parallel_loop3A_220 = arith.index_cast %parallel_loop3A_217 : i32 to index
        %parallel_loop3A_221 = tpu.vector_load %arg7[%parallel_loop3A_219, %parallel_loop3A_220] {strides = array<i32>} : memref<2x8192xf32, #tpu.memory_space<vmem>>, vector<16xf32>,
        tpu.vector_store %arg7[%parallel_loop3A_219, %parallel_loop3A_220], %parallel_loop3A_213 {strides = array<i32>} : memref<2x8192xf32, #tpu.memory_space<vmem>>, vector<16xf32>,
      } {sc.loop_unroll_factor = 16 : i64, sc.parallel_access}
      %mul3A_97 = arith.constant 32 : i32
      %mul3A_98 = arith.muli %scan3A_14, %mul3A_97 : i32
      %add3A_99 = arith.addi %mul3A_98, %add3A : i32
      %dma_start3A_100 = arith.constant 0 : i32
      %dma_start3A_101 = arith.constant 0 : i32
      %dma_start3A_102 = tpu.memref_slice %arg7[%dma_start3A_100, %dma_start3A_101] : memref<2x8192xf32, #tpu.memory_space<vmem>> -> memref<1x8192xf32, #tpu.memory_space<vmem>>
      %dma_start3A_103 = tpu.memref_squeeze %dma_start3A_102 : memref<1x8192xf32, #tpu.memory_space<vmem>> -> memref<8192xf32, #tpu.memory_space<vmem>>
      %dma_start3A_104 = arith.constant 0 : i32
      %dma_start3A_105 = tpu.memref_slice %arg4[%add3A_99, %dma_start3A_104] : memref<832x16384xf32, #tpu.memory_space<hbm>> -> memref<1x8192xf32, #tpu.memory_space<hbm>>
      %dma_start3A_106 = tpu.memref_squeeze %dma_start3A_105 : memref<1x8192xf32, #tpu.memory_space<hbm>> -> memref<8192xf32, #tpu.memory_space<hbm>>
      %dma_start3A_107 = arith.constant 0 : i32
      %dma_start3A_108 = tpu.memref_slice %arg4[%add3A_99, %dma_start3A_107] : memref<832x16384xf32, #tpu.memory_space<hbm>> -> memref<1x8192xf32, #tpu.memory_space<hbm>>
      %dma_start3A_109 = tpu.memref_squeeze %dma_start3A_108 : memref<1x8192xf32, #tpu.memory_space<hbm>> -> memref<8192xf32, #tpu.memory_space<hbm>>
      %dma_start3A_110 = arith.constant 0 : i32
      %dma_start3A_111 = tpu.memref_slice %arg7[%dma_start3A_100, %dma_start3A_110] : memref<2x8192xf32, #tpu.memory_space<vmem>> -> memref<1x8192xf32, #tpu.memory_space<vmem>>
      %dma_start3A_112 = tpu.memref_squeeze %dma_start3A_111 : memref<1x8192xf32, #tpu.memory_space<vmem>> -> memref<8192xf32, #tpu.memory_space<vmem>>
      tpu.enqueue_dma source(%dma_start3A_112 : memref<8192xf32, #tpu.memory_space<vmem>>) target(%dma_start3A_109 : memref<8192xf32, #tpu.memory_space<hbm>>) target_semaphore(%arg11 : memref<!tpu.dma_semaphore, #tpu.memory_space<semaphore_mem>>)
      %dma_wait3A_113 = arith.constant 0 : i32
      %dma_wait3A_114 = arith.constant 0 : i32
      %dma_wait3A_115 = tpu.memref_slice %arg6[%dma_wait3A_113, %dma_wait3A_114] : memref<2x4096xi32, #tpu.memory_space<vmem>> -> memref<1x4096xi32, #tpu.memory_space<vmem>>
      %dma_wait3A_116 = tpu.memref_squeeze %dma_wait3A_115 : memref<1x4096xi32, #tpu.memory_space<vmem>> -> memref<4096xi32, #tpu.memory_space<vmem>>
      %dma_wait3A_117 = arith.constant 8192 : i32
      %dma_wait3A_118 = tpu.memref_slice %arg8[%rem3A_15, %dma_wait3A_117] : memref<2x16384xi32, #tpu.memory_space<vmem_shared>> -> memref<1x4096xi32, #tpu.memory_space<vmem_shared>>
      %dma_wait3A_119 = tpu.memref_squeeze %dma_wait3A_118 : memref<1x4096xi32, #tpu.memory_space<vmem_shared>> -> memref<4096xi32, #tpu.memory_space<vmem_shared>>
      %dma_wait3A_120 = arith.constant 0 : i32
      %dma_wait3A_121 = tpu.memref_slice %arg6[%dma_wait3A_113, %dma_wait3A_120] : memref<2x4096xi32, #tpu.memory_space<vmem>> -> memref<1x4096xi32, #tpu.memory_space<vmem>>
      %dma_wait3A_122 = tpu.memref_squeeze %dma_wait3A_121 : memref<1x4096xi32, #tpu.memory_space<vmem>> -> memref<4096xi32, #tpu.memory_space<vmem>>
      %dma_wait3A_123 = arith.constant 8192 : i32
      %dma_wait3A_124 = tpu.memref_slice %arg8[%rem3A_15, %dma_wait3A_123] : memref<2x16384xi32, #tpu.memory_space<vmem_shared>> -> memref<1x4096xi32, #tpu.memory_space<vmem_shared>>
      %dma_wait3A_125 = tpu.memref_squeeze %dma_wait3A_124 : memref<1x4096xi32, #tpu.memory_space<vmem_shared>> -> memref<4096xi32, #tpu.memory_space<vmem_shared>>
      tpu.wait_dma2 semaphore(%arg10 : memref<!tpu.dma_semaphore, #tpu.memory_space<semaphore_mem>>) src(%dma_wait3A_125 : memref<4096xi32, #tpu.memory_space<vmem_shared>>) dst(%dma_wait3A_122 : memref<4096xi32, #tpu.memory_space<vmem>>)
      %dma_start3A_126 = arith.constant 1 : i32
      %dma_start3A_127 = arith.constant 0 : i32
      %dma_start3A_128 = tpu.memref_slice %arg6[%dma_start3A_126, %dma_start3A_127] : memref<2x4096xi32, #tpu.memory_space<vmem>> -> memref<1x4096xi32, #tpu.memory_space<vmem>>
      %dma_start3A_129 = tpu.memref_squeeze %dma_start3A_128 : memref<1x4096xi32, #tpu.memory_space<vmem>> -> memref<4096xi32, #tpu.memory_space<vmem>>
      %dma_start3A_130 = arith.constant 12288 : i32
      %dma_start3A_131 = tpu.memref_slice %arg8[%rem3A_15, %dma_start3A_130] : memref<2x16384xi32, #tpu.memory_space<vmem_shared>> -> memref<1x4096xi32, #tpu.memory_space<vmem_shared>>
      %dma_start3A_132 = tpu.memref_squeeze %dma_start3A_131 : memref<1x4096xi32, #tpu.memory_space<vmem_shared>> -> memref<4096xi32, #tpu.memory_space<vmem_shared>>
      %dma_start3A_133 = arith.constant 0 : i32
      %dma_start3A_134 = tpu.memref_slice %arg6[%dma_start3A_126, %dma_start3A_133] : memref<2x4096xi32, #tpu.memory_space<vmem>> -> memref<1x4096xi32, #tpu.memory_space<vmem>>
      %dma_start3A_135 = tpu.memref_squeeze %dma_start3A_134 : memref<1x4096xi32, #tpu.memory_space<vmem>> -> memref<4096xi32, #tpu.memory_space<vmem>>
      %dma_start3A_136 = arith.constant 12288 : i32
      %dma_start3A_137 = tpu.memref_slice %arg8[%rem3A_15, %dma_start3A_136] : memref<2x16384xi32, #tpu.memory_space<vmem_shared>> -> memref<1x4096xi32, #tpu.memory_space<vmem_shared>>
      %dma_start3A_138 = tpu.memref_squeeze %dma_start3A_137 : memref<1x4096xi32, #tpu.memory_space<vmem_shared>> -> memref<4096xi32, #tpu.memory_space<vmem_shared>>
      tpu.enqueue_dma source(%dma_start3A_138 : memref<4096xi32, #tpu.memory_space<vmem_shared>>) target(%dma_start3A_135 : memref<4096xi32, #tpu.memory_space<vmem>>) target_semaphore(%arg10 : memref<!tpu.dma_semaphore, #tpu.memory_space<semaphore_mem>>)
      %parallel_loop3A_139 = arith.constant 0 : i32
      %parallel_loop3A_140 = arith.constant 256 : i32
      %parallel_loop3A_141 = arith.constant 1 : i32
      scf.for %parallel_loop3A_206 = %parallel_loop3A_139 to %parallel_loop3A_140 step %parallel_loop3A_141  : i32 {
        %parallel_loop3A_207 = arith.constant 16 : i32
        %parallel_loop3A_208 = arith.muli %parallel_loop3A_206, %parallel_loop3A_207 : i32
        %parallel_loop3A_209 = arith.constant 0 : i32
        %parallel_loop3A_210 = arith.index_cast %parallel_loop3A_209 : i32 to index
        %parallel_loop3A_211 = arith.index_cast %parallel_loop3A_208 : i32 to index
        %parallel_loop3A_212 = tpu.vector_load %arg6[%parallel_loop3A_210, %parallel_loop3A_211] {strides = array<i32>} : memref<2x4096xi32, #tpu.memory_space<vmem>>, vector<16xi32>,
        %parallel_loop3A_213 = tpu.vector_load_idx %arg5[%parallel_loop3A_212] : memref<100000xf32, #tpu.memory_space<vmem>>[vector<16xi32>], vector<16xf32>,
        %parallel_loop3A_214 = arith.constant 16 : i32
        %parallel_loop3A_215 = arith.muli %parallel_loop3A_206, %parallel_loop3A_214 : i32
        %parallel_loop3A_216 = arith.constant 0 : i32
        %parallel_loop3A_217 = arith.addi %parallel_loop3A_216, %parallel_loop3A_215 : i32
        %parallel_loop3A_218 = arith.constant 1 : i32
        %parallel_loop3A_219 = arith.index_cast %parallel_loop3A_218 : i32 to index
        %parallel_loop3A_220 = arith.index_cast %parallel_loop3A_217 : i32 to index
        %parallel_loop3A_221 = tpu.vector_load %arg7[%parallel_loop3A_219, %parallel_loop3A_220] {strides = array<i32>} : memref<2x8192xf32, #tpu.memory_space<vmem>>, vector<16xf32>,
        tpu.vector_store %arg7[%parallel_loop3A_219, %parallel_loop3A_220], %parallel_loop3A_213 {strides = array<i32>} : memref<2x8192xf32, #tpu.memory_space<vmem>>, vector<16xf32>,
      } {sc.loop_unroll_factor = 16 : i64, sc.parallel_access}
      %dma_wait3A_142 = arith.constant 1 : i32
      %dma_wait3A_143 = arith.constant 0 : i32
      %dma_wait3A_144 = tpu.memref_slice %arg6[%dma_wait3A_142, %dma_wait3A_143] : memref<2x4096xi32, #tpu.memory_space<vmem>> -> memref<1x4096xi32, #tpu.memory_space<vmem>>
      %dma_wait3A_145 = tpu.memref_squeeze %dma_wait3A_144 : memref<1x4096xi32, #tpu.memory_space<vmem>> -> memref<4096xi32, #tpu.memory_space<vmem>>
      %dma_wait3A_146 = arith.constant 12288 : i32
      %dma_wait3A_147 = tpu.memref_slice %arg8[%rem3A_15, %dma_wait3A_146] : memref<2x16384xi32, #tpu.memory_space<vmem_shared>> -> memref<1x4096xi32, #tpu.memory_space<vmem_shared>>
      %dma_wait3A_148 = tpu.memref_squeeze %dma_wait3A_147 : memref<1x4096xi32, #tpu.memory_space<vmem_shared>> -> memref<4096xi32, #tpu.memory_space<vmem_shared>>
      %dma_wait3A_149 = arith.constant 0 : i32
      %dma_wait3A_150 = tpu.memref_slice %arg6[%dma_wait3A_142, %dma_wait3A_149] : memref<2x4096xi32, #tpu.memory_space<vmem>> -> memref<1x4096xi32, #tpu.memory_space<vmem>>
      %dma_wait3A_151 = tpu.memref_squeeze %dma_wait3A_150 : memref<1x4096xi32, #tpu.memory_space<vmem>> -> memref<4096xi32, #tpu.memory_space<vmem>>
      %dma_wait3A_152 = arith.constant 12288 : i32
      %dma_wait3A_153 = tpu.memref_slice %arg8[%rem3A_15, %dma_wait3A_152] : memref<2x16384xi32, #tpu.memory_space<vmem_shared>> -> memref<1x4096xi32, #tpu.memory_space<vmem_shared>>
      %dma_wait3A_154 = tpu.memref_squeeze %dma_wait3A_153 : memref<1x4096xi32, #tpu.memory_space<vmem_shared>> -> memref<4096xi32, #tpu.memory_space<vmem_shared>>
      tpu.wait_dma2 semaphore(%arg10 : memref<!tpu.dma_semaphore, #tpu.memory_space<semaphore_mem>>) src(%dma_wait3A_154 : memref<4096xi32, #tpu.memory_space<vmem_shared>>) dst(%dma_wait3A_151 : memref<4096xi32, #tpu.memory_space<vmem>>)
      %parallel_loop3A_155 = arith.constant 0 : i32
      %parallel_loop3A_156 = arith.constant 256 : i32
      %parallel_loop3A_157 = arith.constant 1 : i32
      scf.for %parallel_loop3A_206 = %parallel_loop3A_155 to %parallel_loop3A_156 step %parallel_loop3A_157  : i32 {
        %parallel_loop3A_207 = arith.constant 16 : i32
        %parallel_loop3A_208 = arith.muli %parallel_loop3A_206, %parallel_loop3A_207 : i32
        %parallel_loop3A_209 = arith.constant 1 : i32
        %parallel_loop3A_210 = arith.index_cast %parallel_loop3A_209 : i32 to index
        %parallel_loop3A_211 = arith.index_cast %parallel_loop3A_208 : i32 to index
        %parallel_loop3A_212 = tpu.vector_load %arg6[%parallel_loop3A_210, %parallel_loop3A_211] {strides = array<i32>} : memref<2x4096xi32, #tpu.memory_space<vmem>>, vector<16xi32>,
        %parallel_loop3A_213 = tpu.vector_load_idx %arg5[%parallel_loop3A_212] : memref<100000xf32, #tpu.memory_space<vmem>>[vector<16xi32>], vector<16xf32>,
        %parallel_loop3A_214 = arith.constant 16 : i32
        %parallel_loop3A_215 = arith.muli %parallel_loop3A_206, %parallel_loop3A_214 : i32
        %parallel_loop3A_216 = arith.constant 4096 : i32
        %parallel_loop3A_217 = arith.addi %parallel_loop3A_216, %parallel_loop3A_215 : i32
        %parallel_loop3A_218 = arith.constant 1 : i32
        %parallel_loop3A_219 = arith.index_cast %parallel_loop3A_218 : i32 to index
        %parallel_loop3A_220 = arith.index_cast %parallel_loop3A_217 : i32 to index
        %parallel_loop3A_221 = tpu.vector_load %arg7[%parallel_loop3A_219, %parallel_loop3A_220] {strides = array<i32>} : memref<2x8192xf32, #tpu.memory_space<vmem>>, vector<16xf32>,
        tpu.vector_store %arg7[%parallel_loop3A_219, %parallel_loop3A_220], %parallel_loop3A_213 {strides = array<i32>} : memref<2x8192xf32, #tpu.memory_space<vmem>>, vector<16xf32>,
      } {sc.loop_unroll_factor = 16 : i64, sc.parallel_access}
      %mul3A_158 = arith.constant 32 : i32
      %mul3A_159 = arith.muli %scan3A_14, %mul3A_158 : i32
      %add3A_160 = arith.addi %mul3A_159, %add3A : i32
      %dma_start3A_161 = arith.constant 1 : i32
      %dma_start3A_162 = arith.constant 0 : i32
      %dma_start3A_163 = tpu.memref_slice %arg7[%dma_start3A_161, %dma_start3A_162] : memref<2x8192xf32, #tpu.memory_space<vmem>> -> memref<1x8192xf32, #tpu.memory_space<vmem>>
      %dma_start3A_164 = tpu.memref_squeeze %dma_start3A_163 : memref<1x8192xf32, #tpu.memory_space<vmem>> -> memref<8192xf32, #tpu.memory_space<vmem>>
      %dma_start3A_165 = arith.constant 8192 : i32
      %dma_start3A_166 = tpu.memref_slice %arg4[%add3A_160, %dma_start3A_165] : memref<832x16384xf32, #tpu.memory_space<hbm>> -> memref<1x8192xf32, #tpu.memory_space<hbm>>
      %dma_start3A_167 = tpu.memref_squeeze %dma_start3A_166 : memref<1x8192xf32, #tpu.memory_space<hbm>> -> memref<8192xf32, #tpu.memory_space<hbm>>
      %dma_start3A_168 = arith.constant 8192 : i32
      %dma_start3A_169 = tpu.memref_slice %arg4[%add3A_160, %dma_start3A_168] : memref<832x16384xf32, #tpu.memory_space<hbm>> -> memref<1x8192xf32, #tpu.memory_space<hbm>>
      %dma_start3A_170 = tpu.memref_squeeze %dma_start3A_169 : memref<1x8192xf32, #tpu.memory_space<hbm>> -> memref<8192xf32, #tpu.memory_space<hbm>>
      %dma_start3A_171 = arith.constant 0 : i32
      %dma_start3A_172 = tpu.memref_slice %arg7[%dma_start3A_161, %dma_start3A_171] : memref<2x8192xf32, #tpu.memory_space<vmem>> -> memref<1x8192xf32, #tpu.memory_space<vmem>>
      %dma_start3A_173 = tpu.memref_squeeze %dma_start3A_172 : memref<1x8192xf32, #tpu.memory_space<vmem>> -> memref<8192xf32, #tpu.memory_space<vmem>>
      tpu.enqueue_dma source(%dma_start3A_173 : memref<8192xf32, #tpu.memory_space<vmem>>) target(%dma_start3A_170 : memref<8192xf32, #tpu.memory_space<hbm>>) target_semaphore(%arg11 : memref<!tpu.dma_semaphore, #tpu.memory_space<semaphore_mem>>)
      %lt3A_174 = arith.constant 25 : i32
      %lt3A_175 = arith.cmpi slt, %scan3A_14, %lt3A_174 : i32
      %convert_element_type3A_176 = arith.extui %lt3A_175 : i1 to i32
      %cond3A_177 = arith.constant 0 : i32
      %cond3A_178 = arith.cmpi ne, %convert_element_type3A_176, %cond3A_177 : i32
      scf.if %cond3A_178 {
        %add3A_206 = arith.constant 1 : i32
        %add3A_207 = arith.addi %scan3A_14, %add3A_206 : i32
        %dma_start3A_208 = arith.constant 0 : i32
        %dma_start3A_209 = tpu.memref_slice %arg3[%add3A_207, %add3A, %dma_start3A_208] : memref<26x32x100000xf32, #tpu.memory_space<hbm>> -> memref<1x1x100000xf32, #tpu.memory_space<hbm>>
        %dma_start3A_210 = tpu.memref_squeeze %dma_start3A_209 : memref<1x1x100000xf32, #tpu.memory_space<hbm>> -> memref<100000xf32, #tpu.memory_space<hbm>>
        %dma_start3A_211 = arith.constant 0 : i32
        %dma_start3A_212 = tpu.memref_slice %arg3[%add3A_207, %add3A, %dma_start3A_211] : memref<26x32x100000xf32, #tpu.memory_space<hbm>> -> memref<1x1x100000xf32, #tpu.memory_space<hbm>>
        %dma_start3A_213 = tpu.memref_squeeze %dma_start3A_212 : memref<1x1x100000xf32, #tpu.memory_space<hbm>> -> memref<100000xf32, #tpu.memory_space<hbm>>
        tpu.enqueue_dma source(%dma_start3A_213 : memref<100000xf32, #tpu.memory_space<hbm>>) target(%arg5 : memref<100000xf32, #tpu.memory_space<vmem>>) target_semaphore(%arg9 : memref<!tpu.dma_semaphore, #tpu.memory_space<semaphore_mem>>)
      } else {
      }
      %barrier3A_179 = arith.constant 0 : index
      tpu.barrier barrier_id(%barrier3A_179)
      %dma_wait3A_180 = arith.constant 0 : i32
      %dma_wait3A_181 = arith.constant 0 : i32
      %dma_wait3A_182 = tpu.memref_slice %arg7[%dma_wait3A_180, %dma_wait3A_181] : memref<2x8192xf32, #tpu.memory_space<vmem>> -> memref<1x8192xf32, #tpu.memory_space<vmem>>
      %dma_wait3A_183 = tpu.memref_squeeze %dma_wait3A_182 : memref<1x8192xf32, #tpu.memory_space<vmem>> -> memref<8192xf32, #tpu.memory_space<vmem>>
      %dma_wait3A_184 = arith.constant 0 : i32
      %dma_wait3A_185 = tpu.memref_slice %arg4[%add3A_99, %dma_wait3A_184] : memref<832x16384xf32, #tpu.memory_space<hbm>> -> memref<1x8192xf32, #tpu.memory_space<hbm>>
      %dma_wait3A_186 = tpu.memref_squeeze %dma_wait3A_185 : memref<1x8192xf32, #tpu.memory_space<hbm>> -> memref<8192xf32, #tpu.memory_space<hbm>>
      %dma_wait3A_187 = arith.constant 0 : i32
      %dma_wait3A_188 = tpu.memref_slice %arg4[%add3A_99, %dma_wait3A_187] : memref<832x16384xf32, #tpu.memory_space<hbm>> -> memref<1x8192xf32, #tpu.memory_space<hbm>>
      %dma_wait3A_189 = tpu.memref_squeeze %dma_wait3A_188 : memref<1x8192xf32, #tpu.memory_space<hbm>> -> memref<8192xf32, #tpu.memory_space<hbm>>
      %dma_wait3A_190 = arith.constant 0 : i32
      %dma_wait3A_191 = tpu.memref_slice %arg7[%dma_wait3A_180, %dma_wait3A_190] : memref<2x8192xf32, #tpu.memory_space<vmem>> -> memref<1x8192xf32, #tpu.memory_space<vmem>>
      %dma_wait3A_192 = tpu.memref_squeeze %dma_wait3A_191 : memref<1x8192xf32, #tpu.memory_space<vmem>> -> memref<8192xf32, #tpu.memory_space<vmem>>
      tpu.wait_dma2 semaphore(%arg11 : memref<!tpu.dma_semaphore, #tpu.memory_space<semaphore_mem>>) src(%dma_wait3A_192 : memref<8192xf32, #tpu.memory_space<vmem>>) dst(%dma_wait3A_189 : memref<8192xf32, #tpu.memory_space<hbm>>)
      %dma_wait3A_193 = arith.constant 1 : i32
      %dma_wait3A_194 = arith.constant 0 : i32
      %dma_wait3A_195 = tpu.memref_slice %arg7[%dma_wait3A_193, %dma_wait3A_194] : memref<2x8192xf32, #tpu.memory_space<vmem>> -> memref<1x8192xf32, #tpu.memory_space<vmem>>
      %dma_wait3A_196 = tpu.memref_squeeze %dma_wait3A_195 : memref<1x8192xf32, #tpu.memory_space<vmem>> -> memref<8192xf32, #tpu.memory_space<vmem>>
      %dma_wait3A_197 = arith.constant 8192 : i32
      %dma_wait3A_198 = tpu.memref_slice %arg4[%add3A_160, %dma_wait3A_197] : memref<832x16384xf32, #tpu.memory_space<hbm>> -> memref<1x8192xf32, #tpu.memory_space<hbm>>
      %dma_wait3A_199 = tpu.memref_squeeze %dma_wait3A_198 : memref<1x8192xf32, #tpu.memory_space<hbm>> -> memref<8192xf32, #tpu.memory_space<hbm>>
      %dma_wait3A_200 = arith.constant 8192 : i32
      %dma_wait3A_201 = tpu.memref_slice %arg4[%add3A_160, %dma_wait3A_200] : memref<832x16384xf32, #tpu.memory_space<hbm>> -> memref<1x8192xf32, #tpu.memory_space<hbm>>
      %dma_wait3A_202 = tpu.memref_squeeze %dma_wait3A_201 : memref<1x8192xf32, #tpu.memory_space<hbm>> -> memref<8192xf32, #tpu.memory_space<hbm>>
      %dma_wait3A_203 = arith.constant 0 : i32
      %dma_wait3A_204 = tpu.memref_slice %arg7[%dma_wait3A_193, %dma_wait3A_203] : memref<2x8192xf32, #tpu.memory_space<vmem>> -> memref<1x8192xf32, #tpu.memory_space<vmem>>
      %dma_wait3A_205 = tpu.memref_squeeze %dma_wait3A_204 : memref<1x8192xf32, #tpu.memory_space<vmem>> -> memref<8192xf32, #tpu.memory_space<vmem>>
      tpu.wait_dma2 semaphore(%arg11 : memref<!tpu.dma_semaphore, #tpu.memory_space<semaphore_mem>>) src(%dma_wait3A_205 : memref<8192xf32, #tpu.memory_space<vmem>>) dst(%dma_wait3A_202 : memref<8192xf32, #tpu.memory_space<hbm>>)
    }
    %scan3A_13 = arith.constant 26 : i32
    return
  }
}

</mosaic_0001>

<sc_bundles>
// kernel: kernel.3.cloned.1.call-start
scs
__scs_entry_jumppad:
0x0: {  	(pc) =	sbr.rel $0x88, $3  }
0x1: {  	(tag) =	ssettag $0x0;
	lr =	simm.s32 $0x1  }
0x2: {  	[smem:$0x3F9F] =	sst lr;
	_ =	strace $0xD0000000  }
0x3: {  	_ = 	snop  }
0x4: {  	_ = 	snop  }
0x5: {  	_ = 	snop  }
0x6: {  	_ = 	snop  }
0x7: {  	_ = 	snop  }
__scs_overlays_trampoline_lowered:
0x8: {  	[smem:$0x3FAE] =	sst s0  }
0x9: {  	[smem:$0x3FAF] =	sst s1  }
0xa: {  	[smem:$0x3FB0] =	sst s2  }
0xb: {  	[smem:$0x3FB1] =	sst s3  }
0xc: {  	[smem:$0x3FB2] =	sst s4  }
0xd: {  	[smem:$0x3FB3] =	sst s5  }
0xe: {  	[smem:$0x3FB4] =	sst s6  }
0xf: {  	[smem:$0x3FB5] =	sst s7  }
0x10: {  	[smem:$0x3FB6] =	sst s8  }
0x11: {  	[smem:$0x3FB7] =	sst s9;
	s0 =	simm.s32 @!p0 $0x0  }
0x12: {  	s1 =	sld [smem:$0x3F9D];
	s0 =	simm.s32 @p0 $0x1  }
0x13: {  	[smem:$0x3FB8] =	sst s0;
	s0 =	simm.s32 @!p1 $0x0  }
0x14: {  	s2 =	sld [smem:$0x3F9C];
	s0 =	simm.s32 @p1 $0x1  }
0x15: {  	[smem:$0x3FB9] =	sst s0;
	s0 =	simm.s32 @!p2 $0x0  }
0x16: {  	s3 =	sld [smem:$0x3FDB];
	s0 =	simm.s32 @p2 $0x1  }
0x17: {  	s4 =	simm.s32 $0x1BF5;
	[smem:$0x3FBB] =	sst s0  }
0x18: {  	s0 =	sld [smem:$0x3F9E];
	_ =	swait.ge [sflag:s4], $0x0  }
0x19: {  	s7 =	sld [smem:$0x3F9F]  }
0x1a: {  	s8 =	sadd.s32 $0xFFFFE003, lr  }
0x1b: {  	s9 =	sadd.s32 $0xFFFFFEF7, lr;
	s5 =	simm.s32 $0xFFFFFFFF;
	p2 =	slt.u32 s8, $0xFFFFF086  }
0x1c: {  	p1 =	slt.u32 s9, $0xF7A;
	s5 =	simm.s32 @!p2 $0x0  }
0x1d: {  	s5 =	simm.s32 @p1 $0x1;
	p0 =	seq.s32 s7, s2  }
0x1e: {  	s7 =	smul.u32 @!p0 $0xF7A, s2;
	p2 =	seq.s32 @!p0 s5, $0x0  }
0x1f: {  	s9 =	smul.u32 $0xF7A, s1;
	s8 =	simm.s32 @!p0 $0x1BF5;
	p2 =	por !p2, p0  }
0x20: {  	[sflag:s8] =	ssyncset.s32 @!p0 $0xFFFFF086;
	s6 =	sadd.s32 @!p0 s3, s7;
	s7 =	simm.s32 @!p0 $0x108  }
0x21: {  	s3 =	sadd.s32 s3, s9;
	s6 =	sadd.s32 @!p0 $0x88, s6;
	s7 =	simm.s32 @p2 $0x1082  }
0x22: {  	[simem:s7], [sflag:s8] =	dma.local @!p0 [hbm:s6], $0xF7A  }
0x23: {  	s9 =	sor.u32 $0xD0000000, s2;
	s6 =	simm.s32 $0x108;
	_ =	swait.ge @!p0 [sflag:s8], $0x0  }
0x24: {  	s3 =	sadd.s32 $0x88, s3;
	s6 =	simm.s32 @!p1 $0x1082;
	[sflag:s4] =	ssyncset.s32 $0xFFFFF086  }
0x25: {  	[simem:s6], [sflag:s4] =	dma.local [hbm:s3], $0xF7A  }
0x26: {  	[smem:$0x3F9F] =	sst s1;
	(tag) =	ssettag s2;
	_ =	strace s9  }
0x27: {  	s1 =	sld [smem:$0x3FAF]  }
0x28: {  	s2 =	sld [smem:$0x3FB0]  }
0x29: {  	s4 =	sld [smem:$0x3FB2]  }
0x2a: {  	p0 =	seq.s32 s5, $0x0;
	s5 =	sld [smem:$0x3FB3]  }
0x2b: {  	s6 =	sld [smem:$0x3FB4]  }
0x2c: {  	s7 =	sld [smem:$0x3FB5]  }
0x2d: {  	s3 =	simm.s32 $0x108;
	s8 =	sld [smem:$0x3FB6]  }
0x2e: {  	s3 =	simm.s32 @!p0 $0x1082;
	s9 =	sld [smem:$0x3FB7]  }
0x2f: {  	lr =	sadd.s32 s0, s3;
	s0 =	sld [smem:$0x3FAE]  }
0x30: {  	s3 =	sld [smem:$0x3FB1]  }
0x31: {  	[smem:$0x3FBA] =	sst s10  }
0x32: {  	s10 =	sld [smem:$0x3FB8];
	_ =	sdelay $0x3  }
0x33: {  	p0 =	seq.s32 s10, $0x1;
	s10 =	sld [smem:$0x3FBA];
	_ =	sdelay $0x3  }
0x34: {  	[smem:$0x3FBA] =	sst s10  }
0x35: {  	s10 =	sld [smem:$0x3FB9];
	_ =	sdelay $0x3  }
0x36: {  	p1 =	seq.s32 s10, $0x1;
	s10 =	sld [smem:$0x3FBA];
	_ =	sdelay $0x3  }
0x37: {  	[smem:$0x3FBA] =	sst s10  }
0x38: {  	s10 =	sld [smem:$0x3FBB]  }
0x39: {  	_ = 	snop;
	(pc) =	sbr.ind lr, $3  }
0x3a: {  	_ = 	snop  }
0x3b: {  	_ = 	snop  }
0x3c: {  	p2 =	seq.s32 s10, $0x1;
	s10 =	sld [smem:$0x3FBA]  }
0x3d: {  	_ =	shalt  }
0x3e: {  	_ =	shalt  }
0x3f: {  	_ =	shalt  }
0x40: {  	_ =	shalt  }
0x41: {  	_ =	shalt  }
0x42: {  	_ =	shalt  }
0x43: {  	_ =	shalt  }
0x44: {  	_ =	shalt  }
0x45: {  	_ =	shalt  }
0x46: {  	_ =	shalt  }
0x47: {  	_ =	shalt  }
0x48: {  	_ =	shalt  }
0x49: {  	_ =	shalt  }
0x4a: {  	_ =	shalt  }
0x4b: {  	_ =	shalt  }
0x4c: {  	_ =	shalt  }
0x4d: {  	_ =	shalt  }
0x4e: {  	_ =	shalt  }
0x4f: {  	_ =	shalt  }
0x50: {  	_ =	shalt  }
0x51: {  	_ =	shalt  }
0x52: {  	_ =	shalt  }
0x53: {  	_ =	shalt  }
0x54: {  	_ =	shalt  }
0x55: {  	_ =	shalt  }
0x56: {  	_ =	shalt  }
0x57: {  	_ =	shalt  }
0x58: {  	_ =	shalt  }
0x59: {  	_ =	shalt  }
0x5a: {  	_ =	shalt  }
0x5b: {  	_ =	shalt  }
0x5c: {  	_ =	shalt  }
0x5d: {  	_ =	shalt  }
0x5e: {  	_ =	shalt  }
0x5f: {  	_ =	shalt  }
0x60: {  	_ =	shalt  }
0x61: {  	_ =	shalt  }
0x62: {  	_ =	shalt  }
0x63: {  	_ =	shalt  }
0x64: {  	_ =	shalt  }
0x65: {  	_ =	shalt  }
0x66: {  	_ =	shalt  }
0x67: {  	_ =	shalt  }
0x68: {  	_ =	shalt  }
0x69: {  	_ =	shalt  }
0x6a: {  	_ =	shalt  }
0x6b: {  	_ =	shalt  }
0x6c: {  	_ =	shalt  }
0x6d: {  	_ =	shalt  }
0x6e: {  	_ =	shalt  }
0x6f: {  	_ =	shalt  }
0x70: {  	_ =	shalt  }
0x71: {  	_ =	shalt  }
0x72: {  	_ =	shalt  }
0x73: {  	_ =	shalt  }
0x74: {  	_ =	shalt  }
0x75: {  	_ =	shalt  }
0x76: {  	_ =	shalt  }
0x77: {  	_ =	shalt  }
0x78: {  	_ =	shalt  }
0x79: {  	_ =	shalt  }
0x7a: {  	_ =	shalt  }
0x7b: {  	_ =	shalt  }
0x7c: {  	_ =	shalt  }
0x7d: {  	_ =	shalt  }
0x7e: {  	_ =	shalt  }
0x7f: {  	_ =	shalt  }
0x80: {  	_ =	shalt  }
0x81: {  	_ =	shalt  }
0x82: {  	_ =	shalt  }
0x83: {  	_ =	shalt  }
0x84: {  	_ =	shalt  }
0x85: {  	_ =	shalt  }
0x86: {  	_ =	shalt  }
0x87: {  	_ =	shalt  }
.Lfunc_end0:
.L_simem_size_0:
called_computation_lowered:
.L_overlay_start_0:
0x88: {  	s2 =	sld [smem:$0x3FD9]  }
0x89: {  	s3 =	sld [smem:$0x3FFE];
	_ =	sdelay $0x1  }
0x8a: {  	s1 =	srdreg.scid  }
0x8b: {  	s0 =	sand.u32 $0x1, s1  }
0x8c: {  	s18 =	sshll.u32 s0, $0xA;
	s2 =	sadd.s32 s3, s2  }
0x8d: {  	s2 =	sadd.s32 s2, s18  }
0x8e: {  	[smem:$0x3FC6] =	sst s2  }
0x8f: {  	_ = 	snop  }
0x90: {  	s2 =	sld [smem:$0x3FC9]  }
0x91: {  	s19 =	sld [smem:$0x3FC8]  }
0x92: {  	s4 =	sld [smem:$0x3FD0];
	(tm) =	ssettm $0x1  }
0x93: {  	s5 =	sld [smem:$0x3FFB];
	_ =	sdelay $0x3  }
0x94: {  	_ =	strace s5  }
0x95: {  	s5 =	sld [smem:$0x3FFC];
	_ =	sdelay $0x3  }
0x96: {  	_ =	strace s5  }
0x97: {  	s5 =	sld [smem:$0x3FFD];
	_ =	sdelay $0x3  }
0x98: {  	_ =	strace s5  }
0x99: {  	_ =	strace $0x8FFFFFFF  }
0x9a: {  	s20 =	sld [smem:$0x3FDB];
	_ =	sdelay $0x1  }
0x9b: {  	s6 =	simm.s32 $_scs_section_size  }
0x9c: {  	s7 =	simm.s32 $_size__tile_overlayer_lowered;
	s8 =	simm.s32 $_tile_overlayer_lowered  }
0x9d: {  	s23 =	simm.s32 $0x1BFF;
	s22 =	sshll.u32 s8, $0x1;
	s5 =	sadd.s32 s6, s20  }
0x9e: {  	s9 =	simm.s32 $0x0;
	s21 =	sshll.u32 s7, $0x1;
	s7 =	sadd.s32 s22, s5  }
0x9f: {  	[timem:s9], [sflag:s23] =	dma.local [hbm:s7], s21  }
0xa0: {  	_ =	swait.ge [sflag:s23], s21  }
0xa1: {  	s6 =	ssub.s32 $0x0, s21;
	[sflag:s23] =	ssyncset.done $0x0  }
0xa2: {  	[sflag:s23] =	ssyncadd.s32 s6;
	_ =	sdelay $0x1  }
0xa3: {  	s24 =	simm.s32 $0x1B8B  }
0xa4: {  	_ =	swait.ge [sflag:s24], $0x1  }
0xa5: {  	[sflag:s24] =	ssyncset.done $0x0  }
0xa6: {  	s25 =	simm.s32 $0x1B8E;
	[sflag:s24] =	ssyncadd.s32 $0xFFFFFFFF  }
0xa7: {  	s26 =	simm.s32 $execute0_lowered;
	[smem:$0x3FD2] =	sst s25  }
0xa8: {  	s6 =	sshll.u32 s26, $0x1;
	_ =	strace $0x80000046;
	[dreg:$0x1] =	wrdreg $0xFFFFFFFF  }
0xa9: {  	s28 =	simm.s32 $_size_execute0_lowered;
	s5 =	sadd.s32 s5, s6;
	[dreg:$0x0] =	wrdreg $0x0  }
0xaa: {  	s6 =	sshll.u32 s28, $0x1;
	[dreg:$0x2] =	wrdreg s5  }
0xab: {  	[dreg:$0x3] =	wrdreg s6  }
0xac: {  	[dreg:$0x4] =	wrdreg $0xC0  }
0xad: {  	_ =	task [dreg:s9], $0x5FFFF  }
0xae: {  	[dreg:$0x1] =	wrdreg $0xFFFFFFFF  }
0xaf: {  	[dreg:$0x0] =	wrdreg $0x60  }
0xb0: {  	[dreg:$0x2] =	wrdreg s2  }
0xb1: {  	[dreg:$0x3] =	wrdreg s19  }
0xb2: {  	[dreg:$0x4] =	wrdreg s4  }
0xb3: {  	[dreg:$0x5] =	wrdreg $0x1E7000  }
0xb4: {  	[dreg:$0x6] =	wrdreg $0x9  }
0xb5: {  	_ =	task.clear_ibuf [dreg:s9], $0x7FFFF;
	_ =	strace $0x90000046  }
0xb6: {  	s29 =	simm.s32 $0x9;
	_ =	strace $0x80000048  }
0xb7: {  	_ =	swait.ge [sflag:s29], $0x1  }
0xb8: {  	[sflag:s29] =	ssyncadd.s32 $0xFFFFFFFF  }
0xb9: {  	_ =	strace $0x90000048  }
0xba: {  	_ =	sfence  }
0xbb: {  	s30 =	sld [smem:$0x0];
	_ =	sdelay $0x2  }
0xbc: {  	s31 =	sshll.u32 s1, $0xD;
	s1 =	sshrl.u32 s1, $0x2  }
0xbd: {  	s3 =	sand.u32 $0x4000, s31;
	s1 =	sadd.s32 s1, s30  }
0xbe: {  	s0 =	sor.u32 s3, s0;
	s1 =	sshll.u32 s1, $0x11  }
0xbf: {  	s0 =	sor.u32 s1, s0  }
0xc0: {  	s0 =	sadd.s32 $0x8F2B, s0  }
0xc1: {  	[sflag:s0] =	ssyncadd.remote.s32 $0x1  }
0xc2: {  	_ =	sfence.sel $0xFFFF  }
0xc3: {  	[dreg:$0x0] =	wrdreg $0xFFFFFFFF;
	(pc) =	sbr.abs _section_cstart, $3  }
0xc4: {  	[dreg:$0x1] =	wrdreg $0xFFFFFFFF  }
0xc5: {  	_ =	task.clear_ibuf [dreg:s9], $0x2FFFF;
	_ =	strace $0x9FFFFFFF  }
0xc6: {  	(tm) =	ssettm $0x7FFFFFFF  }
0xc7: {  	_ =	shalt  }
tec
execute0_lowered:
.L_overlay_start_1:
0x0: {  	(tag) =	ssettag $0x1  }
0x1: {  	s1 =	rddreg [dreg:$0x1]  }
0x2: {  	s0 =	srdreg.scid;
	s3 =	rddreg [dreg:$0x2]  }
0x3: {  	s13 =	stileid.u32;
	s4 =	rddreg [dreg:$0x3];
	s5 =	simm.s32 $0x0  }
0x4: {  	s16 =	simm.s32 $0x80;
	s17 =	simm.s32 $0x400;
	s18 =	simm.s32 $0x1  }
0x5: {  	s19 =	simm.s32 $0x2;
	s20 =	simm.s32 $0x3;
	s21 =	simm.s32 $0x0  }
0x6: {  	s7 =	sand.u32 $0x1, s0;
	s0 =	rddreg [dreg:$0x0];
	s6 =	sshll.u32 s13, $0x7  }
0x7: {  	[smem:$0x7FF] =	sst s5;
	p0 =	sne.s32 s13, $0x0;
	s2 =	sshll.u32 s7, $0x4  }
0x8: {  	s14 =	sadd.s32 $0x6000, s4;
	s6 =	sand.u32 $0x380, s6;
	s8 =	sor.u32 s13, s2  }
0x9: {  	s7 =	ssub.s32 $0x2, s7;
	s15 =	sshrl.u32 @!p0 s4, $0x3;
	s2 =	sshrl.u32 s8, $0x3  }
0xa: {  	s31 =	sshrl.u32 s7, $0x1;
	s13 =	sadd.s32 $0x4000, s4;
	s9 =	smul.u32 $0xC3800, s2  }
0xb: {  	s12 =	ssub.s32 s7, s31;
	s8 =	sshll.u32 s8, $0xE;
	s2 =	rddreg [dreg:$0x4]  }
0xc: {  	_ =	strace $0x80000047;
	s8 =	sand.u32 $0x60000, s8;
	s10 =	sor.u32 s6, s9  }
0xd: {  	s9 =	sadd.s32 $0x2000, s3;
	s11 =	sshrl.u32 s10, $0x3;
	s10 =	sadd.s32 $0x30E000, s10  }
0xe: {  	s7 =	sadd.s32 s1, s11;
	s11 =	smax.u32 s12, $0x1;
	s12 =	sadd.s32 $0x2000, s4  }
.LBB2_1:
0xf: {  	s22 =	simm.s32 @!p0 $0x1  }
0x10: {  	s23 =	simm.s32 @!p0 $0x20;
	s24 =	simm.s32 @!p0 $0x80;
	s25 =	simm.s32 @!p0 $0x1C04  }
0x11: {  	[spmem:s15@s23], [sflag:s25] =	dma.strided @!p0 [hbm:s0@s24], $0x800, s22, $0x10   }
0x12: {  	s22 =	simm.s32 @!p0 $0x4  }
0x13: {  	_ =	swait.ge @!p0 [sflag:s22], $0x800  }
0x14: {  	[sflag:s22] =	ssyncset.done @!p0 $0x0  }
0x15: {  	[sflag:s22] =	ssyncadd.s32 @!p0 $0xFFFFF800  }
0x16: {  	[tilespmem:s5], [sflag:$0x1] =	stream.strided.gather [hbm4b:s7+s16], $0x18700, s17, s16, $0x38;
	[tilespmem:$0x1EF00] =	vst v63  }
0x17: {  	p1 =	por $0x0, $0x0;
	s22 =	simm.s32 $0x0;
	[bflag:$0x0] =	sbarrier.arrive $0xFFFF  }
.LBB2_2:
0x18: {  	p2 =	seq.s32 @!p0 s22, $0x19  }
0x19: {  	s24 =	simm.s32 $0x1;
	p2 =	por p2, p0  }
0x1a: {  	s24 =	simm.s32 @!p1 $0x0;
	s23 =	sadd.s32 @!p2 $0x1, s22  }
0x1b: {  	s28 =	simm.s32 @!p2 $0x20;
	s29 =	simm.s32 @!p2 $0x80;
	s30 =	simm.s32 @!p2 $0x1C04  }
0x1c: {  	s31 =	sshll.u32 s24, $0x7;
	s25 =	sshll.u32 @!p2 s23, $0x4;
	s26 =	sshll.u32 @!p2 s23, $0x7  }
0x1d: {  	s23 =	sshll.u32 @!p2 s23, $0xB;
	s25 =	sand.u32 @!p2 $0x70, s25;
	s26 =	sand.u32 @!p2 $0x80, s26  }
0x1e: {  	s23 =	sand.u32 @!p2 $0x1C000, s23;
	s26 =	sadd.s32 @!p2 s26, s4;
	s25 =	sadd.s32 @!p2 s0, s25  }
0x1f: {  	s23 =	sadd.s32 @!p2 s23, s25;
	s25 =	sshrl.u32 @!p2 s26, $0x3;
	s26 =	simm.s32 @!p2 $0x1  }
0x20: {  	[spmem:s25@s28], [sflag:s30] =	dma.strided @!p2 [hbm:s23@s29], $0x800, s26, $0x10   }
0x21: {  	s24 =	sadd.s32 s31, s13;
	s28 =	simm.s32 @!p2 $0x4  }
0x22: {  	s23 =	sadd.s32 s31, s14;
	s25 =	sadd.s32 s31, s12;
	_ =	swait.ge @!p2 [sflag:s28], $0x800  }
0x23: {  	s26 =	sadd.s32 s31, s4;
	s30 =	simm.s32 $0x18700;
	[sflag:s28] =	ssyncset.done @!p2 $0x0  }
0x24: {  	s29 =	sadd.s32 $0x0, s26;
	[sflag:s28] =	ssyncadd.s32 @!p2 $0xFFFFF800;
	s28 =	simm.s32 $0x400  }
.LBB2_3:
0x25: {  	[tilespmem:s30], [sflag:$0x2] =	stream.linear.gather [spmem:s29], $0x80, $0x38;
	[tilespmem:$0x1EF00] =	vst v63  }
0x26: {  	s29 =	smov.u32 s28;
	p2 =	sne.s32 s28, $0x7C00  }
.Ltmp0:
0x27: {  	s28 =	sadd.s32 $0x400, s28;
	(pc) =	sbr.rel @p2 .LBB2_3-.Ltmp0, $3  }
0x28: {  	_ =	sdelay $0x1  }
0x29: {  	s30 =	sshra.s32 s29, $0x2  }
0x2a: {  	s29 =	sadd.s32 s30, s26;
	s30 =	sadd.s32 $0x18700, s30  }
0x2b: {  	[tilespmem:s30], [sflag:$0x2] =	stream.linear.gather [spmem:s29], $0x80, $0x38;
	[tilespmem:$0x1EF00] =	vst v63  }
0x2c: {  	_ =	swait.ge [sflag:s19], $0x1000  }
0x2d: {  	[sflag:s19] =	ssyncset.done $0x0  }
0x2e: {  	[sflag:s19] =	ssyncadd.s32 $0xFFFFF000  }
0x2f: {  	_ =	swait.ge [sflag:s18], $0x18700  }
0x30: {  	[sflag:s18] =	ssyncset.done $0x0  }
0x31: {  	s26 =	simm.s32 $0x0;
	[sflag:s18] =	ssyncadd.s32 $0xFFFE7900  }
.LBB2_5:
0x32: {  	p2 =	sne.s32 s26, $0x7C00  }
.Ltmp1:
0x33: {  	_ = 	snop;
	(pc) =	sbr.rel @p2 .LBB2_5-.Ltmp1, $4  }
0x34: {  	_ = 	snop  }
0x35: {  	s28 =	sshra.s32 s26, $0x2  }
0x36: {  	s26 =	sadd.s32 $0x400, s26;
	s29 =	sadd.s32 s28, s25;
	s28 =	sadd.s32 $0x18780, s28  }
0x37: {  	[tilespmem:s28], [sflag:$0x2] =	stream.linear.gather [spmem:s29], $0x80, $0x38;
	[tilespmem:$0x1EF00] =	vst v63  }
0x38: {  	s25 =	simm.s32 $0x18800  }
0x39: {  	v0 =	vld [tilespmem:s25+$0x70]  }
0x3a: {  	v1 =	vld [tilespmem:s25+$0xFFFFFF10]  }
0x3b: {  	v2 =	vld [tilespmem:s25+$0xFFFFFF20]  }
0x3c: {  	v3 =	vld [tilespmem:s25+$0xFFFFFF30]  }
0x3d: {  	v4 =	vld [tilespmem:s25+$0xFFFFFF40]  }
0x3e: {  	v5 =	vld [tilespmem:s25+$0xFFFFFF50]  }
0x3f: {  	v6 =	vld [tilespmem:s25+$0xFFFFFF60]  }
0x40: {  	v7 =	vld [tilespmem:s25+$0xFFFFFF70]  }
0x41: {  	v8 =	vld [tilespmem:s25+$0x0]  }
0x42: {  	v9 =	vld [tilespmem:s25+$0x10]  }
0x43: {  	v10 =	vld [tilespmem:s25+$0x20]  }
0x44: {  	v11 =	vld [tilespmem:s25+$0x30]  }
0x45: {  	v12 =	vld [tilespmem:s25+$0x40]  }
0x46: {  	v13 =	vld [tilespmem:s25+$0x50]  }
0x47: {  	v14 =	vld [tilespmem:s25+$0x60]  }
0x48: {  	v15 =	vld [tilespmem:s25+$0xFFFFFF00]  }
0x49: {  	v0 =	vld.idx.msk [tilespmem:v0+s5+$0x0], $0xffff  }
0x4a: {  	v1 =	vld.idx.msk [tilespmem:v1+s5+$0x0], $0xffff  }
0x4b: {  	v2 =	vld.idx.msk [tilespmem:v2+s5+$0x0], $0xffff  }
0x4c: {  	v3 =	vld.idx.msk [tilespmem:v3+s5+$0x0], $0xffff  }
0x4d: {  	v4 =	vld.idx.msk [tilespmem:v4+s5+$0x0], $0xffff  }
0x4e: {  	s25 =	simm.s32 $0x1A800;
	v5 =	vld.idx.msk [tilespmem:v5+s5+$0x0], $0xffff  }
0x4f: {  	v6 =	vld.idx.msk [tilespmem:v6+s5+$0x0], $0xffff;
	[tilespmem:s25+$0x70] =	vst v0  }
0x50: {  	v7 =	vld.idx.msk [tilespmem:v7+s5+$0x0], $0xffff;
	[tilespmem:s25+$0xFFFFFF10] =	vst v1  }
0x51: {  	v15 =	vld.idx.msk [tilespmem:v15+s5+$0x0], $0xffff;
	[tilespmem:s25+$0xFFFFFF20] =	vst v2  }
0x52: {  	v8 =	vld.idx.msk [tilespmem:v8+s5+$0x0], $0xffff;
	[tilespmem:s25+$0xFFFFFF30] =	vst v3  }
0x53: {  	[tilespmem:s25+$0xFFFFFF40] =	vst v4;
	v0 =	vld.idx.msk [tilespmem:v9+s5+$0x0], $0xffff  }
0x54: {  	[tilespmem:s25+$0xFFFFFF50] =	vst v5;
	v1 =	vld.idx.msk [tilespmem:v10+s5+$0x0], $0xffff  }
0x55: {  	[tilespmem:s25+$0xFFFFFF60] =	vst v6;
	v2 =	vld.idx.msk [tilespmem:v11+s5+$0x0], $0xffff  }
0x56: {  	[tilespmem:s25+$0xFFFFFF70] =	vst v7;
	v3 =	vld.idx.msk [tilespmem:v12+s5+$0x0], $0xffff  }
0x57: {  	[tilespmem:s25+$0xFFFFFF00] =	vst v15;
	v4 =	vld.idx.msk [tilespmem:v13+s5+$0x0], $0xffff  }
0x58: {  	s26 =	simm.s32 $0x0;
	s28 =	simm.s32 $0x18A00;
	[tilespmem:s25+$0x0] =	vst v8;
	v5 =	vld.idx.msk [tilespmem:v14+s5+$0x0], $0xffff  }
.LBB2_7:
0x59: {  	v6 =	vld [tilespmem:s28+$0x70];
	s26 =	sadd.s32 $0x10, s26;
	[tilespmem:s25+$0x10] =	vst v0  }
0x5a: {  	v0 =	vld [tilespmem:s28+$0xFFFFFF10];
	p2 =	slt.u32 s26, $0xF0;
	[tilespmem:s25+$0x20] =	vst v1  }
0x5b: {  	v1 =	vld [tilespmem:s28+$0xFFFFFF20];
	[tilespmem:s25+$0x30] =	vst v2  }
0x5c: {  	v2 =	vld [tilespmem:s28+$0xFFFFFF30];
	[tilespmem:s25+$0x40] =	vst v3  }
0x5d: {  	v3 =	vld [tilespmem:s28+$0xFFFFFF40];
	[tilespmem:s25+$0x50] =	vst v4  }
0x5e: {  	v4 =	vld [tilespmem:s28+$0xFFFFFF50];
	[tilespmem:s25+$0x60] =	vst v5  }
0x5f: {  	v5 =	vld [tilespmem:s28+$0xFFFFFF60]  }
0x60: {  	v7 =	vld [tilespmem:s28+$0xFFFFFF70]  }
0x61: {  	v6 =	vld.idx.msk [tilespmem:v6+s5+$0x0], $0xffff  }
0x62: {  	v8 =	vld [tilespmem:s28+$0x0]  }
0x63: {  	v9 =	vld [tilespmem:s28+$0x10]  }
0x64: {  	v10 =	vld [tilespmem:s28+$0x20]  }
0x65: {  	v11 =	vld [tilespmem:s28+$0x30]  }
0x66: {  	s25 =	sadd.s32 $0x200, s25;
	v12 =	vld [tilespmem:s28+$0x40]  }
0x67: {  	v13 =	vld [tilespmem:s28+$0x50];
	[tilespmem:s25+$0x70] =	vst v6  }
0x68: {  	v6 =	vld [tilespmem:s28+$0x60]  }
0x69: {  	v14 =	vld [tilespmem:s28+$0xFFFFFF00]  }
0x6a: {  	v0 =	vld.idx.msk [tilespmem:v0+s5+$0x0], $0xffff  }
0x6b: {  	v1 =	vld.idx.msk [tilespmem:v1+s5+$0x0], $0xffff  }
0x6c: {  	v2 =	vld.idx.msk [tilespmem:v2+s5+$0x0], $0xffff  }
0x6d: {  	v3 =	vld.idx.msk [tilespmem:v3+s5+$0x0], $0xffff  }
0x6e: {  	v4 =	vld.idx.msk [tilespmem:v4+s5+$0x0], $0xffff  }
0x6f: {  	v5 =	vld.idx.msk [tilespmem:v5+s5+$0x0], $0xffff  }
0x70: {  	[tilespmem:s25+$0xFFFFFF10] =	vst v0;
	v7 =	vld.idx.msk [tilespmem:v7+s5+$0x0], $0xffff  }
0x71: {  	v14 =	vld.idx.msk [tilespmem:v14+s5+$0x0], $0xffff;
	[tilespmem:s25+$0xFFFFFF20] =	vst v1  }
0x72: {  	[tilespmem:s25+$0xFFFFFF30] =	vst v2;
	v8 =	vld.idx.msk [tilespmem:v8+s5+$0x0], $0xffff  }
0x73: {  	[tilespmem:s25+$0xFFFFFF40] =	vst v3;
	v0 =	vld.idx.msk [tilespmem:v9+s5+$0x0], $0xffff  }
.Ltmp2:
0x74: {  	[tilespmem:s25+$0xFFFFFF50] =	vst v4;
	v1 =	vld.idx.msk [tilespmem:v10+s5+$0x0], $0xffff;
	(pc) =	sbr.rel @p2 .LBB2_7-.Ltmp2, $4  }
0x75: {  	[tilespmem:s25+$0xFFFFFF60] =	vst v5;
	v2 =	vld.idx.msk [tilespmem:v11+s5+$0x0], $0xffff  }
0x76: {  	[tilespmem:s25+$0xFFFFFF70] =	vst v7;
	v3 =	vld.idx.msk [tilespmem:v12+s5+$0x0], $0xffff  }
0x77: {  	[tilespmem:s25+$0xFFFFFF00] =	vst v14;
	v4 =	vld.idx.msk [tilespmem:v13+s5+$0x0], $0xffff  }
0x78: {  	s28 =	sadd.s32 $0x200, s28;
	[tilespmem:s25+$0x0] =	vst v8;
	v5 =	vld.idx.msk [tilespmem:v6+s5+$0x0], $0xffff  }
0x79: {  	[tilespmem:s25+$0x10] =	vst v0  }
0x7a: {  	[tilespmem:s25+$0x20] =	vst v1  }
0x7b: {  	[tilespmem:s25+$0x30] =	vst v2  }
0x7c: {  	[tilespmem:s25+$0x40] =	vst v3  }
0x7d: {  	[tilespmem:s25+$0x50] =	vst v4  }
0x7e: {  	[tilespmem:s25+$0x60] =	vst v5  }
0x7f: {  	_ =	swait.ge [sflag:s19], $0x1000  }
0x80: {  	[sflag:s19] =	ssyncset.done $0x0  }
0x81: {  	s25 =	simm.s32 $0x0;
	[sflag:s19] =	ssyncadd.s32 $0xFFFFF000  }
.LBB2_9:
0x82: {  	p2 =	sne.s32 s25, $0x7C00  }
.Ltmp3:
0x83: {  	_ = 	snop;
	(pc) =	sbr.rel @p2 .LBB2_9-.Ltmp3, $4  }
0x84: {  	_ = 	snop  }
0x85: {  	s26 =	sshra.s32 s25, $0x2  }
0x86: {  	s25 =	sadd.s32 $0x400, s25;
	s28 =	sadd.s32 s26, s24;
	s26 =	sadd.s32 $0x18700, s26  }
0x87: {  	[tilespmem:s26], [sflag:$0x2] =	stream.linear.gather [spmem:s28], $0x80, $0x38;
	[tilespmem:$0x1EF00] =	vst v63  }
0x88: {  	s24 =	simm.s32 $0x18880  }
0x89: {  	v0 =	vld [tilespmem:s24+$0x70]  }
0x8a: {  	v1 =	vld [tilespmem:s24+$0xFFFFFF10]  }
0x8b: {  	v2 =	vld [tilespmem:s24+$0xFFFFFF20]  }
0x8c: {  	v3 =	vld [tilespmem:s24+$0xFFFFFF30]  }
0x8d: {  	v4 =	vld [tilespmem:s24+$0xFFFFFF40]  }
0x8e: {  	v5 =	vld [tilespmem:s24+$0xFFFFFF50]  }
0x8f: {  	v6 =	vld [tilespmem:s24+$0xFFFFFF60]  }
0x90: {  	v7 =	vld [tilespmem:s24+$0xFFFFFF70]  }
0x91: {  	v8 =	vld [tilespmem:s24+$0x0]  }
0x92: {  	v9 =	vld [tilespmem:s24+$0x10]  }
0x93: {  	v10 =	vld [tilespmem:s24+$0x20]  }
0x94: {  	v11 =	vld [tilespmem:s24+$0x30]  }
0x95: {  	v12 =	vld [tilespmem:s24+$0x40]  }
0x96: {  	v13 =	vld [tilespmem:s24+$0x50]  }
0x97: {  	v14 =	vld [tilespmem:s24+$0x60]  }
0x98: {  	v15 =	vld [tilespmem:s24+$0xFFFFFF00]  }
0x99: {  	v0 =	vld.idx.msk [tilespmem:v0+s5+$0x0], $0xffff  }
0x9a: {  	v1 =	vld.idx.msk [tilespmem:v1+s5+$0x0], $0xffff  }
0x9b: {  	v2 =	vld.idx.msk [tilespmem:v2+s5+$0x0], $0xffff  }
0x9c: {  	v3 =	vld.idx.msk [tilespmem:v3+s5+$0x0], $0xffff  }
0x9d: {  	v4 =	vld.idx.msk [tilespmem:v4+s5+$0x0], $0xffff  }
0x9e: {  	s25 =	simm.s32 $0x1C870;
	v16 =	vld.idx.msk [tilespmem:v5+s5+$0x0], $0xffff  }
0x9f: {  	v6 =	vld.idx.msk [tilespmem:v6+s5+$0x0], $0xffff;
	[tilespmem:s25+$0x0] =	vst v0  }
0xa0: {  	v7 =	vld.idx.msk [tilespmem:v7+s5+$0x0], $0xffff;
	[tilespmem:s25+$0xFFFFFEA0] =	vst v1  }
0xa1: {  	v15 =	vld.idx.msk [tilespmem:v15+s5+$0x0], $0xffff;
	[tilespmem:s25+$0xFFFFFEB0] =	vst v2  }
0xa2: {  	v8 =	vld.idx.msk [tilespmem:v8+s5+$0x0], $0xffff;
	[tilespmem:s25+$0xFFFFFEC0] =	vst v3  }
0xa3: {  	v5 =	vld.idx.msk [tilespmem:v9+s5+$0x0], $0xffff;
	[tilespmem:s25+$0xFFFFFED0] =	vst v4  }
0xa4: {  	[tilespmem:s25+$0xFFFFFEE0] =	vst v16;
	v0 =	vld.idx.msk [tilespmem:v10+s5+$0x0], $0xffff  }
0xa5: {  	[tilespmem:s25+$0xFFFFFEF0] =	vst v6;
	v1 =	vld.idx.msk [tilespmem:v11+s5+$0x0], $0xffff  }
0xa6: {  	[tilespmem:s25+$0xFFFFFF00] =	vst v7;
	v2 =	vld.idx.msk [tilespmem:v12+s5+$0x0], $0xffff  }
0xa7: {  	[tilespmem:s25+$0xFFFFFE90] =	vst v15;
	v3 =	vld.idx.msk [tilespmem:v13+s5+$0x0], $0xffff  }
0xa8: {  	s26 =	simm.s32 $0x18A80;
	s24 =	simm.s32 $0x0;
	[tilespmem:s25+$0xFFFFFF90] =	vst v8;
	v4 =	vld.idx.msk [tilespmem:v14+s5+$0x0], $0xffff  }
.LBB2_11:
0xa9: {  	v6 =	vld [tilespmem:s26+$0x70];
	s24 =	sadd.s32 $0x10, s24;
	[tilespmem:s25+$0xFFFFFFA0] =	vst v5  }
0xaa: {  	v5 =	vld [tilespmem:s26+$0xFFFFFF10];
	p2 =	slt.u32 s24, $0xF0;
	[tilespmem:s25+$0xFFFFFFB0] =	vst v0  }
0xab: {  	v0 =	vld [tilespmem:s26+$0xFFFFFF20];
	[tilespmem:s25+$0xFFFFFFC0] =	vst v1  }
0xac: {  	v1 =	vld [tilespmem:s26+$0xFFFFFF30];
	[tilespmem:s25+$0xFFFFFFD0] =	vst v2  }
0xad: {  	v2 =	vld [tilespmem:s26+$0xFFFFFF40];
	[tilespmem:s25+$0xFFFFFFE0] =	vst v3  }
0xae: {  	v3 =	vld [tilespmem:s26+$0xFFFFFF50];
	[tilespmem:s25+$0xFFFFFFF0] =	vst v4  }
0xaf: {  	v4 =	vld [tilespmem:s26+$0xFFFFFF60]  }
0xb0: {  	v7 =	vld [tilespmem:s26+$0xFFFFFF70]  }
0xb1: {  	v6 =	vld.idx.msk [tilespmem:v6+s5+$0x0], $0xffff  }
0xb2: {  	v8 =	vld [tilespmem:s26+$0x0]  }
0xb3: {  	v9 =	vld [tilespmem:s26+$0x10]  }
0xb4: {  	v10 =	vld [tilespmem:s26+$0x20]  }
0xb5: {  	v11 =	vld [tilespmem:s26+$0x30]  }
0xb6: {  	s25 =	sadd.s32 $0x200, s25;
	v12 =	vld [tilespmem:s26+$0x40]  }
0xb7: {  	v13 =	vld [tilespmem:s26+$0x50];
	[tilespmem:s25+$0x0] =	vst v6  }
0xb8: {  	v6 =	vld [tilespmem:s26+$0x60]  }
0xb9: {  	v14 =	vld [tilespmem:s26+$0xFFFFFF00]  }
0xba: {  	v5 =	vld.idx.msk [tilespmem:v5+s5+$0x0], $0xffff  }
0xbb: {  	v0 =	vld.idx.msk [tilespmem:v0+s5+$0x0], $0xffff  }
0xbc: {  	v1 =	vld.idx.msk [tilespmem:v1+s5+$0x0], $0xffff  }
0xbd: {  	v2 =	vld.idx.msk [tilespmem:v2+s5+$0x0], $0xffff  }
0xbe: {  	v3 =	vld.idx.msk [tilespmem:v3+s5+$0x0], $0xffff  }
0xbf: {  	v4 =	vld.idx.msk [tilespmem:v4+s5+$0x0], $0xffff  }
0xc0: {  	[tilespmem:s25+$0xFFFFFEA0] =	vst v5;
	v7 =	vld.idx.msk [tilespmem:v7+s5+$0x0], $0xffff  }
0xc1: {  	v14 =	vld.idx.msk [tilespmem:v14+s5+$0x0], $0xffff;
	[tilespmem:s25+$0xFFFFFEB0] =	vst v0  }
0xc2: {  	[tilespmem:s25+$0xFFFFFEC0] =	vst v1;
	v8 =	vld.idx.msk [tilespmem:v8+s5+$0x0], $0xffff  }
0xc3: {  	[tilespmem:s25+$0xFFFFFED0] =	vst v2;
	v5 =	vld.idx.msk [tilespmem:v9+s5+$0x0], $0xffff  }
.Ltmp4:
0xc4: {  	[tilespmem:s25+$0xFFFFFEE0] =	vst v3;
	v0 =	vld.idx.msk [tilespmem:v10+s5+$0x0], $0xffff;
	(pc) =	sbr.rel @p2 .LBB2_11-.Ltmp4, $4  }
0xc5: {  	[tilespmem:s25+$0xFFFFFEF0] =	vst v4;
	v1 =	vld.idx.msk [tilespmem:v11+s5+$0x0], $0xffff  }
0xc6: {  	[tilespmem:s25+$0xFFFFFF00] =	vst v7;
	v2 =	vld.idx.msk [tilespmem:v12+s5+$0x0], $0xffff  }
0xc7: {  	[tilespmem:s25+$0xFFFFFE90] =	vst v14;
	v3 =	vld.idx.msk [tilespmem:v13+s5+$0x0], $0xffff  }
0xc8: {  	s26 =	sadd.s32 $0x200, s26;
	[tilespmem:s25+$0xFFFFFF90] =	vst v8;
	v4 =	vld.idx.msk [tilespmem:v6+s5+$0x0], $0xffff  }
0xc9: {  	[tilespmem:s25+$0xFFFFFFA0] =	vst v5;
	s24 =	sshll.u32 s22, $0x13  }
0xca: {  	[tilespmem:s25+$0xFFFFFFB0] =	vst v0;
	s24 =	sor.u32 s24, s8  }
0xcb: {  	[tilespmem:s25+$0xFFFFFFC0] =	vst v1;
	s24 =	sor.u32 s6, s24  }
0xcc: {  	[tilespmem:s25+$0xFFFFFFD0] =	vst v2;
	s24 =	sshrl.u32 s24, $0x3  }
0xcd: {  	s28 =	simm.s32 $0x1A700;
	[tilespmem:s25+$0xFFFFFFE0] =	vst v3;
	s26 =	sadd.s32 s3, s24  }
0xce: {  	s29 =	simm.s32 $0x1A800;
	[tilespmem:s25+$0xFFFFFFF0] =	vst v4;
	s25 =	simm.s32 $0x80;
	s30 =	sadd.s32 $0x0, s26  }
.LBB2_13:
0xcf: {  	[hbm4b:s30+s5] =	stream.linear.scatter [tilespmem:s28], [sflag:$0x3], $0x80, $0x38;
	[tilespmem:$0x1EF00] =	vst v63  }
0xd0: {  	s30 =	smov.u32 s25;
	s28 =	smov.u32 s29;
	p2 =	sne.s32 s25, $0x1F80  }
.Ltmp5:
0xd1: {  	s25 =	sadd.s32 $0x80, s25;
	(pc) =	sbr.rel @p2 .LBB2_13-.Ltmp5, $2  }
0xd2: {  	_ =	sdelay $0x2  }
0xd3: {  	s29 =	sadd.s32 $0x100, s29;
	s30 =	sadd.s32 s30, s26  }
0xd4: {  	[hbm4b:s30+s5] =	stream.linear.scatter [tilespmem:s28], [sflag:$0x3], $0x80, $0x38;
	[tilespmem:$0x1EF00] =	vst v63  }
0xd5: {  	_ =	swait.ge [sflag:s19], $0x1000  }
0xd6: {  	[sflag:s19] =	ssyncset.done $0x0  }
0xd7: {  	s25 =	simm.s32 $0x0;
	[sflag:s19] =	ssyncadd.s32 $0xFFFFF000  }
.LBB2_15:
0xd8: {  	p2 =	sne.s32 s25, $0x7C00  }
.Ltmp6:
0xd9: {  	_ = 	snop;
	(pc) =	sbr.rel @p2 .LBB2_15-.Ltmp6, $4  }
0xda: {  	_ = 	snop  }
0xdb: {  	s26 =	sshra.s32 s25, $0x2  }
0xdc: {  	s25 =	sadd.s32 $0x400, s25;
	s28 =	sadd.s32 s26, s23;
	s26 =	sadd.s32 $0x18780, s26  }
0xdd: {  	[tilespmem:s26], [sflag:$0x2] =	stream.linear.gather [spmem:s28], $0x80, $0x38;
	[tilespmem:$0x1EF00] =	vst v63  }
0xde: {  	s23 =	simm.s32 $0x18800  }
0xdf: {  	v0 =	vld [tilespmem:s23+$0x70]  }
0xe0: {  	v1 =	vld [tilespmem:s23+$0xFFFFFF10]  }
0xe1: {  	v2 =	vld [tilespmem:s23+$0xFFFFFF20]  }
0xe2: {  	v3 =	vld [tilespmem:s23+$0xFFFFFF30]  }
0xe3: {  	v4 =	vld [tilespmem:s23+$0xFFFFFF40]  }
0xe4: {  	v5 =	vld [tilespmem:s23+$0xFFFFFF50]  }
0xe5: {  	v6 =	vld [tilespmem:s23+$0xFFFFFF60]  }
0xe6: {  	v7 =	vld [tilespmem:s23+$0xFFFFFF70]  }
0xe7: {  	v8 =	vld [tilespmem:s23+$0x0]  }
0xe8: {  	v9 =	vld [tilespmem:s23+$0x10]  }
0xe9: {  	v10 =	vld [tilespmem:s23+$0x20]  }
0xea: {  	v11 =	vld [tilespmem:s23+$0x30]  }
0xeb: {  	v12 =	vld [tilespmem:s23+$0x40]  }
0xec: {  	v13 =	vld [tilespmem:s23+$0x50]  }
0xed: {  	v14 =	vld [tilespmem:s23+$0x60]  }
0xee: {  	v15 =	vld [tilespmem:s23+$0xFFFFFF00]  }
0xef: {  	v0 =	vld.idx.msk [tilespmem:v0+s5+$0x0], $0xffff  }
0xf0: {  	v1 =	vld.idx.msk [tilespmem:v1+s5+$0x0], $0xffff  }
0xf1: {  	v2 =	vld.idx.msk [tilespmem:v2+s5+$0x0], $0xffff  }
0xf2: {  	v3 =	vld.idx.msk [tilespmem:v3+s5+$0x0], $0xffff  }
0xf3: {  	v4 =	vld.idx.msk [tilespmem:v4+s5+$0x0], $0xffff  }
0xf4: {  	s23 =	simm.s32 $0x1A880;
	v5 =	vld.idx.msk [tilespmem:v5+s5+$0x0], $0xffff  }
0xf5: {  	v6 =	vld.idx.msk [tilespmem:v6+s5+$0x0], $0xffff;
	[tilespmem:s23+$0x70] =	vst v0  }
0xf6: {  	v7 =	vld.idx.msk [tilespmem:v7+s5+$0x0], $0xffff;
	[tilespmem:s23+$0xFFFFFF10] =	vst v1  }
0xf7: {  	v15 =	vld.idx.msk [tilespmem:v15+s5+$0x0], $0xffff;
	[tilespmem:s23+$0xFFFFFF20] =	vst v2  }
0xf8: {  	v8 =	vld.idx.msk [tilespmem:v8+s5+$0x0], $0xffff;
	[tilespmem:s23+$0xFFFFFF30] =	vst v3  }
0xf9: {  	[tilespmem:s23+$0xFFFFFF40] =	vst v4;
	v0 =	vld.idx.msk [tilespmem:v9+s5+$0x0], $0xffff  }
0xfa: {  	[tilespmem:s23+$0xFFFFFF50] =	vst v5;
	v1 =	vld.idx.msk [tilespmem:v10+s5+$0x0], $0xffff  }
0xfb: {  	[tilespmem:s23+$0xFFFFFF60] =	vst v6;
	v2 =	vld.idx.msk [tilespmem:v11+s5+$0x0], $0xffff  }
0xfc: {  	[tilespmem:s23+$0xFFFFFF70] =	vst v7;
	v3 =	vld.idx.msk [tilespmem:v12+s5+$0x0], $0xffff  }
0xfd: {  	[tilespmem:s23+$0xFFFFFF00] =	vst v15;
	v4 =	vld.idx.msk [tilespmem:v13+s5+$0x0], $0xffff  }
0xfe: {  	s25 =	simm.s32 $0x0;
	s26 =	simm.s32 $0x18A00;
	[tilespmem:s23+$0x0] =	vst v8;
	v5 =	vld.idx.msk [tilespmem:v14+s5+$0x0], $0xffff  }
.LBB2_17:
0xff: {  	v6 =	vld [tilespmem:s26+$0x70];
	s25 =	sadd.s32 $0x10, s25;
	[tilespmem:s23+$0x10] =	vst v0  }
0x100: {  	v0 =	vld [tilespmem:s26+$0xFFFFFF10];
	p2 =	slt.u32 s25, $0xF0;
	[tilespmem:s23+$0x20] =	vst v1  }
0x101: {  	v1 =	vld [tilespmem:s26+$0xFFFFFF20];
	[tilespmem:s23+$0x30] =	vst v2  }
0x102: {  	v2 =	vld [tilespmem:s26+$0xFFFFFF30];
	[tilespmem:s23+$0x40] =	vst v3  }
0x103: {  	v3 =	vld [tilespmem:s26+$0xFFFFFF40];
	[tilespmem:s23+$0x50] =	vst v4  }
0x104: {  	v4 =	vld [tilespmem:s26+$0xFFFFFF50];
	[tilespmem:s23+$0x60] =	vst v5  }
0x105: {  	v5 =	vld [tilespmem:s26+$0xFFFFFF60]  }
0x106: {  	v7 =	vld [tilespmem:s26+$0xFFFFFF70]  }
0x107: {  	v6 =	vld.idx.msk [tilespmem:v6+s5+$0x0], $0xffff  }
0x108: {  	v8 =	vld [tilespmem:s26+$0x0]  }
0x109: {  	v9 =	vld [tilespmem:s26+$0x10]  }
0x10a: {  	v10 =	vld [tilespmem:s26+$0x20]  }
0x10b: {  	v11 =	vld [tilespmem:s26+$0x30]  }
0x10c: {  	s23 =	sadd.s32 $0x200, s23;
	v12 =	vld [tilespmem:s26+$0x40]  }
0x10d: {  	v13 =	vld [tilespmem:s26+$0x50];
	[tilespmem:s23+$0x70] =	vst v6  }
0x10e: {  	v6 =	vld [tilespmem:s26+$0x60]  }
0x10f: {  	v14 =	vld [tilespmem:s26+$0xFFFFFF00]  }
0x110: {  	v0 =	vld.idx.msk [tilespmem:v0+s5+$0x0], $0xffff  }
0x111: {  	v1 =	vld.idx.msk [tilespmem:v1+s5+$0x0], $0xffff  }
0x112: {  	v2 =	vld.idx.msk [tilespmem:v2+s5+$0x0], $0xffff  }
0x113: {  	v3 =	vld.idx.msk [tilespmem:v3+s5+$0x0], $0xffff  }
0x114: {  	v4 =	vld.idx.msk [tilespmem:v4+s5+$0x0], $0xffff  }
0x115: {  	v5 =	vld.idx.msk [tilespmem:v5+s5+$0x0], $0xffff  }
0x116: {  	[tilespmem:s23+$0xFFFFFF10] =	vst v0;
	v7 =	vld.idx.msk [tilespmem:v7+s5+$0x0], $0xffff  }
0x117: {  	v14 =	vld.idx.msk [tilespmem:v14+s5+$0x0], $0xffff;
	[tilespmem:s23+$0xFFFFFF20] =	vst v1  }
0x118: {  	[tilespmem:s23+$0xFFFFFF30] =	vst v2;
	v8 =	vld.idx.msk [tilespmem:v8+s5+$0x0], $0xffff  }
0x119: {  	[tilespmem:s23+$0xFFFFFF40] =	vst v3;
	v0 =	vld.idx.msk [tilespmem:v9+s5+$0x0], $0xffff  }
.Ltmp7:
0x11a: {  	[tilespmem:s23+$0xFFFFFF50] =	vst v4;
	v1 =	vld.idx.msk [tilespmem:v10+s5+$0x0], $0xffff;
	(pc) =	sbr.rel @p2 .LBB2_17-.Ltmp7, $4  }
0x11b: {  	[tilespmem:s23+$0xFFFFFF60] =	vst v5;
	v2 =	vld.idx.msk [tilespmem:v11+s5+$0x0], $0xffff  }
0x11c: {  	[tilespmem:s23+$0xFFFFFF70] =	vst v7;
	v3 =	vld.idx.msk [tilespmem:v12+s5+$0x0], $0xffff  }
0x11d: {  	[tilespmem:s23+$0xFFFFFF00] =	vst v14;
	v4 =	vld.idx.msk [tilespmem:v13+s5+$0x0], $0xffff  }
0x11e: {  	s26 =	sadd.s32 $0x200, s26;
	[tilespmem:s23+$0x0] =	vst v8;
	v5 =	vld.idx.msk [tilespmem:v6+s5+$0x0], $0xffff  }
0x11f: {  	[tilespmem:s23+$0x10] =	vst v0  }
0x120: {  	[tilespmem:s23+$0x20] =	vst v1  }
0x121: {  	[tilespmem:s23+$0x30] =	vst v2  }
0x122: {  	[tilespmem:s23+$0x40] =	vst v3  }
0x123: {  	[tilespmem:s23+$0x50] =	vst v4  }
0x124: {  	[tilespmem:s23+$0x60] =	vst v5  }
0x125: {  	_ =	swait.ge [sflag:s19], $0x1000  }
0x126: {  	[sflag:s19] =	ssyncset.done $0x0  }
0x127: {  	s31 =	simm.s32 $0x18880;
	[sflag:s19] =	ssyncadd.s32 $0xFFFFF000  }
0x128: {  	v0 =	vld [tilespmem:s31+$0x70]  }
0x129: {  	v1 =	vld [tilespmem:s31+$0xFFFFFF10]  }
0x12a: {  	v2 =	vld [tilespmem:s31+$0xFFFFFF20]  }
0x12b: {  	v3 =	vld [tilespmem:s31+$0xFFFFFF30]  }
0x12c: {  	v4 =	vld [tilespmem:s31+$0xFFFFFF40]  }
0x12d: {  	v5 =	vld [tilespmem:s31+$0xFFFFFF50]  }
0x12e: {  	v6 =	vld [tilespmem:s31+$0xFFFFFF60]  }
0x12f: {  	v7 =	vld [tilespmem:s31+$0xFFFFFF70]  }
0x130: {  	v8 =	vld [tilespmem:s31+$0x0]  }
0x131: {  	v9 =	vld [tilespmem:s31+$0x10]  }
0x132: {  	v10 =	vld [tilespmem:s31+$0x20]  }
0x133: {  	v11 =	vld [tilespmem:s31+$0x30]  }
0x134: {  	v12 =	vld [tilespmem:s31+$0x40]  }
0x135: {  	v13 =	vld [tilespmem:s31+$0x50]  }
0x136: {  	v14 =	vld [tilespmem:s31+$0x60]  }
0x137: {  	v15 =	vld [tilespmem:s31+$0xFFFFFF00]  }
0x138: {  	v0 =	vld.idx.msk [tilespmem:v0+s5+$0x0], $0xffff  }
0x139: {  	v1 =	vld.idx.msk [tilespmem:v1+s5+$0x0], $0xffff  }
0x13a: {  	v2 =	vld.idx.msk [tilespmem:v2+s5+$0x0], $0xffff  }
0x13b: {  	v3 =	vld.idx.msk [tilespmem:v3+s5+$0x0], $0xffff  }
0x13c: {  	v4 =	vld.idx.msk [tilespmem:v4+s5+$0x0], $0xffff  }
0x13d: {  	s23 =	simm.s32 $0x1C8F0;
	v5 =	vld.idx.msk [tilespmem:v5+s5+$0x0], $0xffff  }
0x13e: {  	v6 =	vld.idx.msk [tilespmem:v6+s5+$0x0], $0xffff;
	[tilespmem:s23+$0x0] =	vst v0  }
0x13f: {  	v7 =	vld.idx.msk [tilespmem:v7+s5+$0x0], $0xffff;
	[tilespmem:s23+$0xFFFFFEA0] =	vst v1  }
0x140: {  	v15 =	vld.idx.msk [tilespmem:v15+s5+$0x0], $0xffff;
	[tilespmem:s23+$0xFFFFFEB0] =	vst v2  }
0x141: {  	v8 =	vld.idx.msk [tilespmem:v8+s5+$0x0], $0xffff;
	[tilespmem:s23+$0xFFFFFEC0] =	vst v3  }
0x142: {  	[tilespmem:s23+$0xFFFFFED0] =	vst v4;
	v0 =	vld.idx.msk [tilespmem:v9+s5+$0x0], $0xffff  }
0x143: {  	[tilespmem:s23+$0xFFFFFEE0] =	vst v5;
	v1 =	vld.idx.msk [tilespmem:v10+s5+$0x0], $0xffff  }
0x144: {  	[tilespmem:s23+$0xFFFFFEF0] =	vst v6;
	v2 =	vld.idx.msk [tilespmem:v11+s5+$0x0], $0xffff  }
0x145: {  	[tilespmem:s23+$0xFFFFFF00] =	vst v7;
	v3 =	vld.idx.msk [tilespmem:v12+s5+$0x0], $0xffff  }
0x146: {  	[tilespmem:s23+$0xFFFFFE90] =	vst v15;
	v4 =	vld.idx.msk [tilespmem:v13+s5+$0x0], $0xffff  }
0x147: {  	s25 =	simm.s32 $0x0;
	s26 =	simm.s32 $0x18A80;
	[tilespmem:s23+$0xFFFFFF90] =	vst v8;
	v5 =	vld.idx.msk [tilespmem:v14+s5+$0x0], $0xffff  }
.LBB2_19:
0x148: {  	v6 =	vld [tilespmem:s26+$0x70];
	s25 =	sadd.s32 $0x10, s25;
	[tilespmem:s23+$0xFFFFFFA0] =	vst v0  }
0x149: {  	v0 =	vld [tilespmem:s26+$0xFFFFFF10];
	p2 =	slt.u32 s25, $0xF0;
	[tilespmem:s23+$0xFFFFFFB0] =	vst v1  }
0x14a: {  	v1 =	vld [tilespmem:s26+$0xFFFFFF20];
	[tilespmem:s23+$0xFFFFFFC0] =	vst v2  }
0x14b: {  	v2 =	vld [tilespmem:s26+$0xFFFFFF30];
	[tilespmem:s23+$0xFFFFFFD0] =	vst v3  }
0x14c: {  	v3 =	vld [tilespmem:s26+$0xFFFFFF40];
	[tilespmem:s23+$0xFFFFFFE0] =	vst v4  }
0x14d: {  	v4 =	vld [tilespmem:s26+$0xFFFFFF50];
	[tilespmem:s23+$0xFFFFFFF0] =	vst v5  }
0x14e: {  	v5 =	vld [tilespmem:s26+$0xFFFFFF60]  }
0x14f: {  	v7 =	vld [tilespmem:s26+$0xFFFFFF70]  }
0x150: {  	v6 =	vld.idx.msk [tilespmem:v6+s5+$0x0], $0xffff  }
0x151: {  	v8 =	vld [tilespmem:s26+$0x0]  }
0x152: {  	v9 =	vld [tilespmem:s26+$0x10]  }
0x153: {  	v10 =	vld [tilespmem:s26+$0x20]  }
0x154: {  	v11 =	vld [tilespmem:s26+$0x30]  }
0x155: {  	s23 =	sadd.s32 $0x200, s23;
	v12 =	vld [tilespmem:s26+$0x40]  }
0x156: {  	v13 =	vld [tilespmem:s26+$0x50];
	[tilespmem:s23+$0x0] =	vst v6  }
0x157: {  	v6 =	vld [tilespmem:s26+$0x60]  }
0x158: {  	v14 =	vld [tilespmem:s26+$0xFFFFFF00]  }
0x159: {  	v0 =	vld.idx.msk [tilespmem:v0+s5+$0x0], $0xffff  }
0x15a: {  	v1 =	vld.idx.msk [tilespmem:v1+s5+$0x0], $0xffff  }
0x15b: {  	v2 =	vld.idx.msk [tilespmem:v2+s5+$0x0], $0xffff  }
0x15c: {  	v3 =	vld.idx.msk [tilespmem:v3+s5+$0x0], $0xffff  }
0x15d: {  	v4 =	vld.idx.msk [tilespmem:v4+s5+$0x0], $0xffff  }
0x15e: {  	v5 =	vld.idx.msk [tilespmem:v5+s5+$0x0], $0xffff  }
0x15f: {  	[tilespmem:s23+$0xFFFFFEA0] =	vst v0;
	v7 =	vld.idx.msk [tilespmem:v7+s5+$0x0], $0xffff  }
0x160: {  	v14 =	vld.idx.msk [tilespmem:v14+s5+$0x0], $0xffff;
	[tilespmem:s23+$0xFFFFFEB0] =	vst v1  }
0x161: {  	[tilespmem:s23+$0xFFFFFEC0] =	vst v2;
	v8 =	vld.idx.msk [tilespmem:v8+s5+$0x0], $0xffff  }
0x162: {  	[tilespmem:s23+$0xFFFFFED0] =	vst v3;
	v0 =	vld.idx.msk [tilespmem:v9+s5+$0x0], $0xffff  }
.Ltmp8:
0x163: {  	[tilespmem:s23+$0xFFFFFEE0] =	vst v4;
	v1 =	vld.idx.msk [tilespmem:v10+s5+$0x0], $0xffff;
	(pc) =	sbr.rel @p2 .LBB2_19-.Ltmp8, $4  }
0x164: {  	[tilespmem:s23+$0xFFFFFEF0] =	vst v5;
	v2 =	vld.idx.msk [tilespmem:v11+s5+$0x0], $0xffff  }
0x165: {  	[tilespmem:s23+$0xFFFFFF00] =	vst v7;
	v3 =	vld.idx.msk [tilespmem:v12+s5+$0x0], $0xffff  }
0x166: {  	[tilespmem:s23+$0xFFFFFE90] =	vst v14;
	v4 =	vld.idx.msk [tilespmem:v13+s5+$0x0], $0xffff  }
0x167: {  	s26 =	sadd.s32 $0x200, s26;
	[tilespmem:s23+$0xFFFFFF90] =	vst v8;
	v5 =	vld.idx.msk [tilespmem:v6+s5+$0x0], $0xffff  }
0x168: {  	[tilespmem:s23+$0xFFFFFFA0] =	vst v0  }
0x169: {  	[tilespmem:s23+$0xFFFFFFB0] =	vst v1  }
0x16a: {  	[tilespmem:s23+$0xFFFFFFC0] =	vst v2  }
0x16b: {  	[tilespmem:s23+$0xFFFFFFD0] =	vst v3  }
0x16c: {  	s25 =	sadd.s32 s24, s9;
	s24 =	simm.s32 $0x1A780;
	[tilespmem:s23+$0xFFFFFFE0] =	vst v4  }
0x16d: {  	s26 =	simm.s32 $0x1A880;
	s28 =	sadd.s32 $0x0, s25;
	[tilespmem:s23+$0xFFFFFFF0] =	vst v5;
	s23 =	simm.s32 $0x80  }
.LBB2_21:
0x16e: {  	[hbm4b:s28+s5] =	stream.linear.scatter [tilespmem:s24], [sflag:$0x3], $0x80, $0x38;
	[tilespmem:$0x1EF00] =	vst v63  }
0x16f: {  	s28 =	smov.u32 s23;
	s24 =	smov.u32 s26;
	p2 =	sne.s32 s23, $0x1F80  }
.Ltmp9:
0x170: {  	s23 =	sadd.s32 $0x80, s23;
	(pc) =	sbr.rel @p2 .LBB2_21-.Ltmp9, $2  }
0x171: {  	_ =	sdelay $0x2  }
0x172: {  	s26 =	sadd.s32 $0x100, s26;
	s28 =	sadd.s32 s28, s25  }
0x173: {  	p2 =	seq.s32 s22, $0x19  }
0x174: {  	s23 =	smul.u32 @!p2 $0x30E000, s22  }
0x175: {  	[hbm4b:s28+s5] =	stream.linear.scatter [tilespmem:s24], [sflag:$0x3], $0x80, $0x38;
	[tilespmem:$0x1EF00] =	vst v63  }
0x176: {  	s23 =	sadd.s32 @!p2 s23, s10  }
0x177: {  	s24 =	simm.s32 @!p2 $0x80;
	s23 =	sshrl.u32 @!p2 s23, $0x3  }
0x178: {  	s25 =	simm.s32 @!p2 $0x400;
	s26 =	simm.s32 @!p2 $0x0;
	s23 =	sadd.s32 @!p2 s1, s23  }
0x179: {  	[tilespmem:s26], [sflag:$0x1] =	stream.strided.gather @!p2 [hbm4b:s23+s24], $0x18700, s25, s24, $0x38;
	[tilespmem:$0x1EF00] =	vst v63  }
0x17a: {  	s22 =	sadd.s32 $0x1, s22;
	[bflag:$0x0] =	sbarrier.arrive $0xFFFF  }
0x17b: {  	p2 =	sne.s32 s22, $0x1A;
	_ =	swait.ge [sflag:s20], $0x2000  }
.Ltmp10:
0x17c: {  	[sflag:s20] =	ssyncset.done $0x0;
	(pc) =	sbr.rel @p2 .LBB2_2-.Ltmp10, $4  }
0x17d: {  	[sflag:s20] =	ssyncadd.s32 $0xFFFFE000  }
0x17e: {  	_ =	swait.ge [sflag:s20], $0x2000  }
0x17f: {  	[sflag:s20] =	ssyncset.done $0x0  }
0x180: {  	p1 =	por !p1, !p1;
	[sflag:s20] =	ssyncadd.s32 $0xFFFFE000  }
0x181: {  	s21 =	sadd.s32 $0x1, s21  }
0x182: {  	p1 =	sne.s32 s21, s11  }
.Ltmp11:
0x183: {  	_ = 	snop;
	(pc) =	sbr.rel @p1 .LBB2_1-.Ltmp11, $1  }
0x184: {  	_ =	sdelay $0x3  }
0x185: {  	_ =	sfence.sel $0x180000  }
0x186: {  	[bflag:$0x0] =	sbarrier.arrive $0xFFFF  }
0x187: {  	_ =	strace $0x90000047  }
0x188: {  	s0 =	sadd.s32 @!p0 $0x100000, s2;
	[bflag:$0x2] =	sbarrier.arrive $0xFFFF  }
0x189: {  	[sflag:s0] =	ssyncadd.tile.s32 @!p0 $0x1;
	_ =	shalt  }
.Lfunc_end2:
_tile_overlayer_lowered:
.L_overlay_start_2:
0x18a: {  	(tag) =	ssettag $0x2  }
0x18b: {  	s0 =	rddreg [dreg:$0x0];
	s2 =	stileid.u32  }
0x18c: {  	s1 =	rddreg [dreg:$0x1];
	p0 =	sne.s32 s2, $0x0  }
0x18d: {  	s3 =	rddreg [dreg:$0x2];
	[bflag:$0x3] =	sbarrier.arrive $0xFFFF;
	s2 =	simm.s32 @!p0 $0x1C04  }
0x18e: {  	[timem:s3], [sflag:s2] =	dma.local @!p0 [hbm:s0], s1  }
0x18f: {  	s0 =	simm.s32 @!p0 $0x4  }
0x190: {  	_ =	swait.ge @!p0 [sflag:s0], s1  }
0x191: {  	s1 =	ssub.s32 @!p0 $0x0, s1;
	[sflag:s0] =	ssyncset.done @!p0 $0x0  }
0x192: {  	[sflag:s0] =	ssyncadd.s32 @!p0 s1  }
0x193: {  	[bflag:$0x3] =	sbarrier.arrive $0xFFFF  }
0x194: {  	_ =	shalt  }

</sc_bundles>
